<compile_context>
chip_gen: v7x
topology: tpu7x:2x2x1
jax: 0.10.2.dev20260603
libtpu: 0.0.44.dev20260713+nightly
codegen_flags: <defaults>
</compile_context>

<pallas_src>
import functools

import numpy as np
import jax
import jax.numpy as jnp
from jax import lax
from jax.experimental import pallas as pl
from jax.experimental.pallas import tpu as pltpu
from jax.experimental.pallas import tpu_sc as plsc

_SEQ_LENGTH = 8192
_MASK_LENGTH = 2048
_D = 1024
_B = 4

_np_rng = np.random.RandomState(0)
_unmask_draw = _np_rng.randint(low=0, high=_SEQ_LENGTH, size=_MASK_LENGTH)
_UNMASK_BOOL = np.zeros(_SEQ_LENGTH, dtype=bool)
_UNMASK_BOOL[_unmask_draw] = True
_KEEP = np.where(_UNMASK_BOOL)[0].astype(np.int32)
_K = int(_KEEP.shape[0])

_info = plsc.get_sparse_core_info()
_NC = _info.num_cores
_NS = _info.num_subcores
_NW = _NC * _NS

_CHUNK_S = 15
_N_CHUNKS = 4
_S_PER_W = _CHUNK_S * _N_CHUNKS
_STRIDE = 57
_LAST_START = _K - _S_PER_W
_STARTS = np.minimum(np.arange(_NW) * _STRIDE, _LAST_START)
assert _STARTS[0] == 0 and _STARTS[-1] == _LAST_START
assert np.all(np.diff(_STARTS) <= _S_PER_W)

_IDX_TABLE = np.empty((_NW, _N_CHUNKS, 4 * _CHUNK_S), dtype=np.int32)
for _w in range(_NW):
    for _c in range(_N_CHUNKS):
        _s = _KEEP[_STARTS[_w] + _c * _CHUNK_S:
                   _STARTS[_w] + (_c + 1) * _CHUNK_S].astype(np.int64)
        _IDX_TABLE[_w, _c] = (
            np.arange(_B)[None, :] * _SEQ_LENGTH + _s[:, None]).reshape(-1)

_mesh = plsc.VectorSubcoreMesh(core_axis_name="c", subcore_axis_name="s")
_NBUF = 2


@functools.partial(
    pl.kernel,
    mesh=_mesh,
    out_type=jax.ShapeDtypeStruct((_K, _B, _D), jnp.float32),
    scratch_types=[
        pltpu.VMEM((_N_CHUNKS, 4 * _CHUNK_S), jnp.int32),
        pltpu.VMEM((_CHUNK_S, _B, _D), jnp.float32),
        pltpu.VMEM((_CHUNK_S, _B, _D), jnp.float32),
        pltpu.SemaphoreType.DMA,
        pltpu.SemaphoreType.DMA,
        pltpu.SemaphoreType.DMA,
        pltpu.SemaphoreType.DMA,
    ],
)
def _gather_rows(x_hbm, idx_hbm, out_hbm, idx_v,
                 buf0, buf1, gs0, gs1, os0, os1):
    wid = lax.axis_index("s") * _NC + lax.axis_index("c")
    base = lax.min(wid * _STRIDE, _LAST_START)
    pltpu.sync_copy(idx_hbm.at[wid], idx_v)
    bufs = (buf0, buf1)
    gsems = (gs0, gs1)
    osems = (os0, os1)
    look = _NBUF - 1
    gath = [None] * _N_CHUNKS
    last_scat = [None] * _NBUF
    for c in range(-look, _N_CHUNKS):
        f = c + look
        if 0 <= f < _N_CHUNKS:
            bb = f % _NBUF
            if last_scat[bb] is not None:
                last_scat[bb].wait()
                last_scat[bb] = None
            gath[f] = pltpu.async_copy(
                x_hbm.at[idx_v.at[f]],
                bufs[bb].reshape(4 * _CHUNK_S, _D), gsems[bb])
        if c >= 0:
            gath[c].wait()
            bb = c % _NBUF
            last_scat[bb] = pltpu.async_copy(
                bufs[bb], out_hbm.at[pl.ds(base + c * _CHUNK_S, _CHUNK_S)],
                osems[bb])
    for bb in range(_NBUF):
        if last_scat[bb] is not None:
            last_scat[bb].wait()


def kernel(x):
    x_flat = x.reshape(_B * _SEQ_LENGTH, _D)
    idx = jnp.asarray(_IDX_TABLE)
    out_sbd = _gather_rows(x_flat, idx)
    out = out_sbd.transpose(1, 0, 2)
    return (out, jnp.asarray(_UNMASK_BOOL))

# --- scband reference (transcript-rebuilt; emitter-appended) ---
"""Pipeline reference for scband-mask-token-9706626089389 (READ-ONLY COPY).

The authoritative reference and input builder live on the scoring server;
editing this copy changes nothing except your own understanding.
"""

import jax, jax.numpy as jnp
import numpy as np

SEQ_LENGTH = 8192
MASK_RATIO = 0.75
MASK_LENGTH = SEQ_LENGTH - int(SEQ_LENGTH * MASK_RATIO)  # 2048


def setup_inputs(seed: int = 0) -> dict:
    key = jax.random.key(seed)
    x = jax.random.normal(key, (4, SEQ_LENGTH, 1024), dtype=jnp.float32)
    return {"x": x}


def reference(x):
    # Faithful translation of MaskToken.forward: draw mask_length random
    # positions (with possible duplicates), mark them True in a boolean
    # mask over the sequence, and gather the unmasked tokens.
    # Randomness is made deterministic with a fixed numpy seed; the mask
    # is a concrete (non-traced) constant, so boolean selection is
    # realized as an integer gather (jnp.take), which is the same math.
    rng = np.random.RandomState(0)
    unmask_idx = rng.randint(low=0, high=SEQ_LENGTH, size=MASK_LENGTH)
    unmask_bool = np.zeros(SEQ_LENGTH, dtype=bool)
    unmask_bool[unmask_idx] = True
    keep_idx = jnp.asarray(np.where(unmask_bool)[0], dtype=jnp.int32)
    out = jnp.take(x, keep_idx, axis=1)
    return (out, jnp.asarray(unmask_bool))

if __name__ == "__main__":
    import jax
    _d = setup_inputs()
    print(jax.jit(kernel)(*tuple(_d.values())))

</pallas_src>

<mosaic_0001>
#map = affine_map<(d0, d1) -> (0, 0)>
#map1 = affine_map<(d0, d1) -> (0, 0, 0)>
module attributes {stable_mosaic.version = 14 : i64} {
  func.func @_gather_rows(%arg0: i32, %arg1: i32, %arg2: memref<32768x1024xf32, #tpu.memory_space<hbm>>, %arg3: memref<32x4x60xi32, #tpu.memory_space<hbm>>, %arg4: memref<1811x4x1024xf32, #tpu.memory_space<hbm>>, %arg5: memref<4x60xi32, #tpu.memory_space<vmem>>, %arg6: memref<15x4x1024xf32, #tpu.memory_space<vmem>>, %arg7: memref<15x4x1024xf32, #tpu.memory_space<vmem>>, %arg8: memref<!tpu.dma_semaphore, #tpu.memory_space<semaphore_mem>>, %arg9: memref<!tpu.dma_semaphore, #tpu.memory_space<semaphore_mem>>, %arg10: memref<!tpu.dma_semaphore, #tpu.memory_space<semaphore_mem>>, %arg11: memref<!tpu.dma_semaphore, #tpu.memory_space<semaphore_mem>>) attributes {dimension_semantics = [#tpu.dimension_semantics<core_parallel>, #tpu.dimension_semantics<subcore_parallel>], iteration_bounds = array<i64: 2, 16>, scalar_prefetch = 0 : i64, scratch_operands = 7 : i64, tpu.core_type = #tpu.core_type<sc_vector_subcore>, window_params = [{transform_indices = #map}, {transform_indices = #map1}, {transform_indices = #map1}]} {
    %mul3A = arith.constant 2 : i32
    %mul3A_0 = arith.muli %arg1, %mul3A : i32
    %add3A = arith.addi %mul3A_0, %arg0 : i32
    %mul3A_1 = arith.constant 57 : i32
    %mul3A_2 = arith.muli %add3A, %mul3A_1 : i32
    %min3A = arith.constant 1751 : i32
    %min3A_3 = arith.minsi %mul3A_2, %min3A : i32
    "tpu.region"() ({
      %run_scoped3A = tpu.sem_alloc : memref<!tpu.dma_semaphore, #tpu.memory_space<semaphore_mem>>
      %dma_start3A_122 = arith.constant 0 : i32
      %dma_start3A_123 = arith.constant 0 : i32
      %dma_start3A_124 = tpu.memref_slice %arg3[%add3A, %dma_start3A_122, %dma_start3A_123] : memref<32x4x60xi32, #tpu.memory_space<hbm>> -> memref<1x4x60xi32, #tpu.memory_space<hbm>>
      %dma_start3A_125 = tpu.memref_squeeze %dma_start3A_124 : memref<1x4x60xi32, #tpu.memory_space<hbm>> -> memref<4x60xi32, #tpu.memory_space<hbm>>
      %dma_start3A_126 = arith.constant 0 : i32
      %dma_start3A_127 = arith.constant 0 : i32
      %dma_start3A_128 = tpu.memref_slice %arg3[%add3A, %dma_start3A_126, %dma_start3A_127] : memref<32x4x60xi32, #tpu.memory_space<hbm>> -> memref<1x4x60xi32, #tpu.memory_space<hbm>>
      %dma_start3A_129 = tpu.memref_squeeze %dma_start3A_128 : memref<1x4x60xi32, #tpu.memory_space<hbm>> -> memref<4x60xi32, #tpu.memory_space<hbm>>
      tpu.enqueue_dma source(%dma_start3A_129 : memref<4x60xi32, #tpu.memory_space<hbm>>) target(%arg5 : memref<4x60xi32, #tpu.memory_space<vmem>>) target_semaphore(%run_scoped3A : memref<!tpu.dma_semaphore, #tpu.memory_space<semaphore_mem>>)
      %dma_wait3A_130 = arith.constant 0 : i32
      %dma_wait3A_131 = arith.constant 0 : i32
      %dma_wait3A_132 = tpu.memref_slice %arg3[%add3A, %dma_wait3A_130, %dma_wait3A_131] : memref<32x4x60xi32, #tpu.memory_space<hbm>> -> memref<1x4x60xi32, #tpu.memory_space<hbm>>
      %dma_wait3A_133 = tpu.memref_squeeze %dma_wait3A_132 : memref<1x4x60xi32, #tpu.memory_space<hbm>> -> memref<4x60xi32, #tpu.memory_space<hbm>>
      %dma_wait3A_134 = arith.constant 0 : i32
      %dma_wait3A_135 = arith.constant 0 : i32
      %dma_wait3A_136 = tpu.memref_slice %arg3[%add3A, %dma_wait3A_134, %dma_wait3A_135] : memref<32x4x60xi32, #tpu.memory_space<hbm>> -> memref<1x4x60xi32, #tpu.memory_space<hbm>>
      %dma_wait3A_137 = tpu.memref_squeeze %dma_wait3A_136 : memref<1x4x60xi32, #tpu.memory_space<hbm>> -> memref<4x60xi32, #tpu.memory_space<hbm>>
      tpu.wait_dma2 semaphore(%run_scoped3A : memref<!tpu.dma_semaphore, #tpu.memory_space<semaphore_mem>>) src(%dma_wait3A_137 : memref<4x60xi32, #tpu.memory_space<hbm>>) dst(%arg5 : memref<4x60xi32, #tpu.memory_space<vmem>>)
      tpu.yield
    }) : () -> ()
    %dma_start3A = arith.constant 0 : i32
    %dma_start3A_4 = tpu.memref_reshape %arg6 : memref<15x4x1024xf32, #tpu.memory_space<vmem>> -> memref<60x1024xf32, #tpu.memory_space<vmem>>
    %dma_start3A_5 = arith.constant 0 : i32
    %dma_start3A_6 = tpu.memref_slice %arg5[%dma_start3A, %dma_start3A_5] : memref<4x60xi32, #tpu.memory_space<vmem>> -> memref<1x60xi32, #tpu.memory_space<vmem>>
    %dma_start3A_7 = tpu.memref_squeeze %dma_start3A_6 : memref<1x60xi32, #tpu.memory_space<vmem>> -> memref<60xi32, #tpu.memory_space<vmem>>
    %dma_start3A_8 = arith.constant 0 : i32
    %dma_start3A_9 = arith.constant 0 : i32
    %dma_start3A_10 = tpu.memref_slice %arg2[%dma_start3A_8, %dma_start3A_9] : memref<32768x1024xf32, #tpu.memory_space<hbm>> -> memref<32768x1024xf32, #tpu.memory_space<hbm>>
    tpu.enqueue_indirect_dma source(%dma_start3A_10 : memref<32768x1024xf32, #tpu.memory_space<hbm>>) target(%dma_start3A_4 : memref<60x1024xf32, #tpu.memory_space<vmem>>) offsets(%dma_start3A_7 : memref<60xi32, #tpu.memory_space<vmem>>) semaphore(%arg8 : memref<!tpu.dma_semaphore, #tpu.memory_space<semaphore_mem>>)
    %dma_start3A_11 = arith.constant 1 : i32
    %dma_start3A_12 = tpu.memref_reshape %arg7 : memref<15x4x1024xf32, #tpu.memory_space<vmem>> -> memref<60x1024xf32, #tpu.memory_space<vmem>>
    %dma_start3A_13 = arith.constant 0 : i32
    %dma_start3A_14 = tpu.memref_slice %arg5[%dma_start3A_11, %dma_start3A_13] : memref<4x60xi32, #tpu.memory_space<vmem>> -> memref<1x60xi32, #tpu.memory_space<vmem>>
    %dma_start3A_15 = tpu.memref_squeeze %dma_start3A_14 : memref<1x60xi32, #tpu.memory_space<vmem>> -> memref<60xi32, #tpu.memory_space<vmem>>
    %dma_start3A_16 = arith.constant 0 : i32
    %dma_start3A_17 = arith.constant 0 : i32
    %dma_start3A_18 = tpu.memref_slice %arg2[%dma_start3A_16, %dma_start3A_17] : memref<32768x1024xf32, #tpu.memory_space<hbm>> -> memref<32768x1024xf32, #tpu.memory_space<hbm>>
    tpu.enqueue_indirect_dma source(%dma_start3A_18 : memref<32768x1024xf32, #tpu.memory_space<hbm>>) target(%dma_start3A_12 : memref<60x1024xf32, #tpu.memory_space<vmem>>) offsets(%dma_start3A_15 : memref<60xi32, #tpu.memory_space<vmem>>) semaphore(%arg9 : memref<!tpu.dma_semaphore, #tpu.memory_space<semaphore_mem>>)
    %dma_wait3A = arith.constant 0 : i32
    %dma_wait3A_19 = tpu.memref_reshape %arg6 : memref<15x4x1024xf32, #tpu.memory_space<vmem>> -> memref<60x1024xf32, #tpu.memory_space<vmem>>
    %dma_wait3A_20 = arith.constant 0 : i32
    %dma_wait3A_21 = tpu.memref_slice %arg5[%dma_wait3A, %dma_wait3A_20] : memref<4x60xi32, #tpu.memory_space<vmem>> -> memref<1x60xi32, #tpu.memory_space<vmem>>
    %dma_wait3A_22 = tpu.memref_squeeze %dma_wait3A_21 : memref<1x60xi32, #tpu.memory_space<vmem>> -> memref<60xi32, #tpu.memory_space<vmem>>
    %dma_wait3A_23 = arith.constant 0 : i32
    %dma_wait3A_24 = arith.constant 0 : i32
    %dma_wait3A_25 = tpu.memref_slice %arg2[%dma_wait3A_23, %dma_wait3A_24] : memref<32768x1024xf32, #tpu.memory_space<hbm>> -> memref<32768x1024xf32, #tpu.memory_space<hbm>>
    tpu.wait_indirect_dma semaphore(%arg8 : memref<!tpu.dma_semaphore, #tpu.memory_space<semaphore_mem>>) src(%dma_wait3A_25 : memref<32768x1024xf32, #tpu.memory_space<hbm>>) dst(%dma_wait3A_19 : memref<60x1024xf32, #tpu.memory_space<vmem>>)
    %add3A_26 = arith.constant 0 : i32
    %add3A_27 = arith.addi %min3A_3, %add3A_26 : i32
    %dma_start3A_28 = arith.constant 0 : i32
    %dma_start3A_29 = arith.constant 0 : i32
    %dma_start3A_30 = tpu.memref_slice %arg4[%add3A_27, %dma_start3A_28, %dma_start3A_29] : memref<1811x4x1024xf32, #tpu.memory_space<hbm>> -> memref<15x4x1024xf32, #tpu.memory_space<hbm>>
    %dma_start3A_31 = arith.constant 0 : i32
    %dma_start3A_32 = arith.constant 0 : i32
    %dma_start3A_33 = tpu.memref_slice %arg4[%add3A_27, %dma_start3A_31, %dma_start3A_32] : memref<1811x4x1024xf32, #tpu.memory_space<hbm>> -> memref<15x4x1024xf32, #tpu.memory_space<hbm>>
    tpu.enqueue_dma source(%arg6 : memref<15x4x1024xf32, #tpu.memory_space<vmem>>) target(%dma_start3A_33 : memref<15x4x1024xf32, #tpu.memory_space<hbm>>) target_semaphore(%arg10 : memref<!tpu.dma_semaphore, #tpu.memory_space<semaphore_mem>>)
    %dma_wait3A_34 = arith.constant 0 : i32
    %dma_wait3A_35 = arith.constant 0 : i32
    %dma_wait3A_36 = tpu.memref_slice %arg4[%add3A_27, %dma_wait3A_34, %dma_wait3A_35] : memref<1811x4x1024xf32, #tpu.memory_space<hbm>> -> memref<15x4x1024xf32, #tpu.memory_space<hbm>>
    %dma_wait3A_37 = arith.constant 0 : i32
    %dma_wait3A_38 = arith.constant 0 : i32
    %dma_wait3A_39 = tpu.memref_slice %arg4[%add3A_27, %dma_wait3A_37, %dma_wait3A_38] : memref<1811x4x1024xf32, #tpu.memory_space<hbm>> -> memref<15x4x1024xf32, #tpu.memory_space<hbm>>
    tpu.wait_dma2 semaphore(%arg10 : memref<!tpu.dma_semaphore, #tpu.memory_space<semaphore_mem>>) src(%arg6 : memref<15x4x1024xf32, #tpu.memory_space<vmem>>) dst(%dma_wait3A_39 : memref<15x4x1024xf32, #tpu.memory_space<hbm>>)
    %dma_start3A_40 = arith.constant 2 : i32
    %dma_start3A_41 = tpu.memref_reshape %arg6 : memref<15x4x1024xf32, #tpu.memory_space<vmem>> -> memref<60x1024xf32, #tpu.memory_space<vmem>>
    %dma_start3A_42 = arith.constant 0 : i32
    %dma_start3A_43 = tpu.memref_slice %arg5[%dma_start3A_40, %dma_start3A_42] : memref<4x60xi32, #tpu.memory_space<vmem>> -> memref<1x60xi32, #tpu.memory_space<vmem>>
    %dma_start3A_44 = tpu.memref_squeeze %dma_start3A_43 : memref<1x60xi32, #tpu.memory_space<vmem>> -> memref<60xi32, #tpu.memory_space<vmem>>
    %dma_start3A_45 = arith.constant 0 : i32
    %dma_start3A_46 = arith.constant 0 : i32
    %dma_start3A_47 = tpu.memref_slice %arg2[%dma_start3A_45, %dma_start3A_46] : memref<32768x1024xf32, #tpu.memory_space<hbm>> -> memref<32768x1024xf32, #tpu.memory_space<hbm>>
    tpu.enqueue_indirect_dma source(%dma_start3A_47 : memref<32768x1024xf32, #tpu.memory_space<hbm>>) target(%dma_start3A_41 : memref<60x1024xf32, #tpu.memory_space<vmem>>) offsets(%dma_start3A_44 : memref<60xi32, #tpu.memory_space<vmem>>) semaphore(%arg8 : memref<!tpu.dma_semaphore, #tpu.memory_space<semaphore_mem>>)
    %dma_wait3A_48 = arith.constant 1 : i32
    %dma_wait3A_49 = tpu.memref_reshape %arg7 : memref<15x4x1024xf32, #tpu.memory_space<vmem>> -> memref<60x1024xf32, #tpu.memory_space<vmem>>
    %dma_wait3A_50 = arith.constant 0 : i32
    %dma_wait3A_51 = tpu.memref_slice %arg5[%dma_wait3A_48, %dma_wait3A_50] : memref<4x60xi32, #tpu.memory_space<vmem>> -> memref<1x60xi32, #tpu.memory_space<vmem>>
    %dma_wait3A_52 = tpu.memref_squeeze %dma_wait3A_51 : memref<1x60xi32, #tpu.memory_space<vmem>> -> memref<60xi32, #tpu.memory_space<vmem>>
    %dma_wait3A_53 = arith.constant 0 : i32
    %dma_wait3A_54 = arith.constant 0 : i32
    %dma_wait3A_55 = tpu.memref_slice %arg2[%dma_wait3A_53, %dma_wait3A_54] : memref<32768x1024xf32, #tpu.memory_space<hbm>> -> memref<32768x1024xf32, #tpu.memory_space<hbm>>
    tpu.wait_indirect_dma semaphore(%arg9 : memref<!tpu.dma_semaphore, #tpu.memory_space<semaphore_mem>>) src(%dma_wait3A_55 : memref<32768x1024xf32, #tpu.memory_space<hbm>>) dst(%dma_wait3A_49 : memref<60x1024xf32, #tpu.memory_space<vmem>>)
    %add3A_56 = arith.constant 15 : i32
    %add3A_57 = arith.addi %min3A_3, %add3A_56 : i32
    %dma_start3A_58 = arith.constant 0 : i32
    %dma_start3A_59 = arith.constant 0 : i32
    %dma_start3A_60 = tpu.memref_slice %arg4[%add3A_57, %dma_start3A_58, %dma_start3A_59] : memref<1811x4x1024xf32, #tpu.memory_space<hbm>> -> memref<15x4x1024xf32, #tpu.memory_space<hbm>>
    %dma_start3A_61 = arith.constant 0 : i32
    %dma_start3A_62 = arith.constant 0 : i32
    %dma_start3A_63 = tpu.memref_slice %arg4[%add3A_57, %dma_start3A_61, %dma_start3A_62] : memref<1811x4x1024xf32, #tpu.memory_space<hbm>> -> memref<15x4x1024xf32, #tpu.memory_space<hbm>>
    tpu.enqueue_dma source(%arg7 : memref<15x4x1024xf32, #tpu.memory_space<vmem>>) target(%dma_start3A_63 : memref<15x4x1024xf32, #tpu.memory_space<hbm>>) target_semaphore(%arg11 : memref<!tpu.dma_semaphore, #tpu.memory_space<semaphore_mem>>)
    %dma_wait3A_64 = arith.constant 0 : i32
    %dma_wait3A_65 = arith.constant 0 : i32
    %dma_wait3A_66 = tpu.memref_slice %arg4[%add3A_57, %dma_wait3A_64, %dma_wait3A_65] : memref<1811x4x1024xf32, #tpu.memory_space<hbm>> -> memref<15x4x1024xf32, #tpu.memory_space<hbm>>
    %dma_wait3A_67 = arith.constant 0 : i32
    %dma_wait3A_68 = arith.constant 0 : i32
    %dma_wait3A_69 = tpu.memref_slice %arg4[%add3A_57, %dma_wait3A_67, %dma_wait3A_68] : memref<1811x4x1024xf32, #tpu.memory_space<hbm>> -> memref<15x4x1024xf32, #tpu.memory_space<hbm>>
    tpu.wait_dma2 semaphore(%arg11 : memref<!tpu.dma_semaphore, #tpu.memory_space<semaphore_mem>>) src(%arg7 : memref<15x4x1024xf32, #tpu.memory_space<vmem>>) dst(%dma_wait3A_69 : memref<15x4x1024xf32, #tpu.memory_space<hbm>>)
    %dma_start3A_70 = arith.constant 3 : i32
    %dma_start3A_71 = tpu.memref_reshape %arg7 : memref<15x4x1024xf32, #tpu.memory_space<vmem>> -> memref<60x1024xf32, #tpu.memory_space<vmem>>
    %dma_start3A_72 = arith.constant 0 : i32
    %dma_start3A_73 = tpu.memref_slice %arg5[%dma_start3A_70, %dma_start3A_72] : memref<4x60xi32, #tpu.memory_space<vmem>> -> memref<1x60xi32, #tpu.memory_space<vmem>>
    %dma_start3A_74 = tpu.memref_squeeze %dma_start3A_73 : memref<1x60xi32, #tpu.memory_space<vmem>> -> memref<60xi32, #tpu.memory_space<vmem>>
    %dma_start3A_75 = arith.constant 0 : i32
    %dma_start3A_76 = arith.constant 0 : i32
    %dma_start3A_77 = tpu.memref_slice %arg2[%dma_start3A_75, %dma_start3A_76] : memref<32768x1024xf32, #tpu.memory_space<hbm>> -> memref<32768x1024xf32, #tpu.memory_space<hbm>>
    tpu.enqueue_indirect_dma source(%dma_start3A_77 : memref<32768x1024xf32, #tpu.memory_space<hbm>>) target(%dma_start3A_71 : memref<60x1024xf32, #tpu.memory_space<vmem>>) offsets(%dma_start3A_74 : memref<60xi32, #tpu.memory_space<vmem>>) semaphore(%arg9 : memref<!tpu.dma_semaphore, #tpu.memory_space<semaphore_mem>>)
    %dma_wait3A_78 = arith.constant 2 : i32
    %dma_wait3A_79 = tpu.memref_reshape %arg6 : memref<15x4x1024xf32, #tpu.memory_space<vmem>> -> memref<60x1024xf32, #tpu.memory_space<vmem>>
    %dma_wait3A_80 = arith.constant 0 : i32
    %dma_wait3A_81 = tpu.memref_slice %arg5[%dma_wait3A_78, %dma_wait3A_80] : memref<4x60xi32, #tpu.memory_space<vmem>> -> memref<1x60xi32, #tpu.memory_space<vmem>>
    %dma_wait3A_82 = tpu.memref_squeeze %dma_wait3A_81 : memref<1x60xi32, #tpu.memory_space<vmem>> -> memref<60xi32, #tpu.memory_space<vmem>>
    %dma_wait3A_83 = arith.constant 0 : i32
    %dma_wait3A_84 = arith.constant 0 : i32
    %dma_wait3A_85 = tpu.memref_slice %arg2[%dma_wait3A_83, %dma_wait3A_84] : memref<32768x1024xf32, #tpu.memory_space<hbm>> -> memref<32768x1024xf32, #tpu.memory_space<hbm>>
    tpu.wait_indirect_dma semaphore(%arg8 : memref<!tpu.dma_semaphore, #tpu.memory_space<semaphore_mem>>) src(%dma_wait3A_85 : memref<32768x1024xf32, #tpu.memory_space<hbm>>) dst(%dma_wait3A_79 : memref<60x1024xf32, #tpu.memory_space<vmem>>)
    %add3A_86 = arith.constant 30 : i32
    %add3A_87 = arith.addi %min3A_3, %add3A_86 : i32
    %dma_start3A_88 = arith.constant 0 : i32
    %dma_start3A_89 = arith.constant 0 : i32
    %dma_start3A_90 = tpu.memref_slice %arg4[%add3A_87, %dma_start3A_88, %dma_start3A_89] : memref<1811x4x1024xf32, #tpu.memory_space<hbm>> -> memref<15x4x1024xf32, #tpu.memory_space<hbm>>
    %dma_start3A_91 = arith.constant 0 : i32
    %dma_start3A_92 = arith.constant 0 : i32
    %dma_start3A_93 = tpu.memref_slice %arg4[%add3A_87, %dma_start3A_91, %dma_start3A_92] : memref<1811x4x1024xf32, #tpu.memory_space<hbm>> -> memref<15x4x1024xf32, #tpu.memory_space<hbm>>
    tpu.enqueue_dma source(%arg6 : memref<15x4x1024xf32, #tpu.memory_space<vmem>>) target(%dma_start3A_93 : memref<15x4x1024xf32, #tpu.memory_space<hbm>>) target_semaphore(%arg10 : memref<!tpu.dma_semaphore, #tpu.memory_space<semaphore_mem>>)
    %dma_wait3A_94 = arith.constant 3 : i32
    %dma_wait3A_95 = tpu.memref_reshape %arg7 : memref<15x4x1024xf32, #tpu.memory_space<vmem>> -> memref<60x1024xf32, #tpu.memory_space<vmem>>
    %dma_wait3A_96 = arith.constant 0 : i32
    %dma_wait3A_97 = tpu.memref_slice %arg5[%dma_wait3A_94, %dma_wait3A_96] : memref<4x60xi32, #tpu.memory_space<vmem>> -> memref<1x60xi32, #tpu.memory_space<vmem>>
    %dma_wait3A_98 = tpu.memref_squeeze %dma_wait3A_97 : memref<1x60xi32, #tpu.memory_space<vmem>> -> memref<60xi32, #tpu.memory_space<vmem>>
    %dma_wait3A_99 = arith.constant 0 : i32
    %dma_wait3A_100 = arith.constant 0 : i32
    %dma_wait3A_101 = tpu.memref_slice %arg2[%dma_wait3A_99, %dma_wait3A_100] : memref<32768x1024xf32, #tpu.memory_space<hbm>> -> memref<32768x1024xf32, #tpu.memory_space<hbm>>
    tpu.wait_indirect_dma semaphore(%arg9 : memref<!tpu.dma_semaphore, #tpu.memory_space<semaphore_mem>>) src(%dma_wait3A_101 : memref<32768x1024xf32, #tpu.memory_space<hbm>>) dst(%dma_wait3A_95 : memref<60x1024xf32, #tpu.memory_space<vmem>>)
    %add3A_102 = arith.constant 45 : i32
    %add3A_103 = arith.addi %min3A_3, %add3A_102 : i32
    %dma_start3A_104 = arith.constant 0 : i32
    %dma_start3A_105 = arith.constant 0 : i32
    %dma_start3A_106 = tpu.memref_slice %arg4[%add3A_103, %dma_start3A_104, %dma_start3A_105] : memref<1811x4x1024xf32, #tpu.memory_space<hbm>> -> memref<15x4x1024xf32, #tpu.memory_space<hbm>>
    %dma_start3A_107 = arith.constant 0 : i32
    %dma_start3A_108 = arith.constant 0 : i32
    %dma_start3A_109 = tpu.memref_slice %arg4[%add3A_103, %dma_start3A_107, %dma_start3A_108] : memref<1811x4x1024xf32, #tpu.memory_space<hbm>> -> memref<15x4x1024xf32, #tpu.memory_space<hbm>>
    tpu.enqueue_dma source(%arg7 : memref<15x4x1024xf32, #tpu.memory_space<vmem>>) target(%dma_start3A_109 : memref<15x4x1024xf32, #tpu.memory_space<hbm>>) target_semaphore(%arg11 : memref<!tpu.dma_semaphore, #tpu.memory_space<semaphore_mem>>)
    %dma_wait3A_110 = arith.constant 0 : i32
    %dma_wait3A_111 = arith.constant 0 : i32
    %dma_wait3A_112 = tpu.memref_slice %arg4[%add3A_87, %dma_wait3A_110, %dma_wait3A_111] : memref<1811x4x1024xf32, #tpu.memory_space<hbm>> -> memref<15x4x1024xf32, #tpu.memory_space<hbm>>
    %dma_wait3A_113 = arith.constant 0 : i32
    %dma_wait3A_114 = arith.constant 0 : i32
    %dma_wait3A_115 = tpu.memref_slice %arg4[%add3A_87, %dma_wait3A_113, %dma_wait3A_114] : memref<1811x4x1024xf32, #tpu.memory_space<hbm>> -> memref<15x4x1024xf32, #tpu.memory_space<hbm>>
    tpu.wait_dma2 semaphore(%arg10 : memref<!tpu.dma_semaphore, #tpu.memory_space<semaphore_mem>>) src(%arg6 : memref<15x4x1024xf32, #tpu.memory_space<vmem>>) dst(%dma_wait3A_115 : memref<15x4x1024xf32, #tpu.memory_space<hbm>>)
    %dma_wait3A_116 = arith.constant 0 : i32
    %dma_wait3A_117 = arith.constant 0 : i32
    %dma_wait3A_118 = tpu.memref_slice %arg4[%add3A_103, %dma_wait3A_116, %dma_wait3A_117] : memref<1811x4x1024xf32, #tpu.memory_space<hbm>> -> memref<15x4x1024xf32, #tpu.memory_space<hbm>>
    %dma_wait3A_119 = arith.constant 0 : i32
    %dma_wait3A_120 = arith.constant 0 : i32
    %dma_wait3A_121 = tpu.memref_slice %arg4[%add3A_103, %dma_wait3A_119, %dma_wait3A_120] : memref<1811x4x1024xf32, #tpu.memory_space<hbm>> -> memref<15x4x1024xf32, #tpu.memory_space<hbm>>
    tpu.wait_dma2 semaphore(%arg11 : memref<!tpu.dma_semaphore, #tpu.memory_space<semaphore_mem>>) src(%arg7 : memref<15x4x1024xf32, #tpu.memory_space<vmem>>) dst(%dma_wait3A_121 : memref<15x4x1024xf32, #tpu.memory_space<hbm>>)
    return
  }
}

</mosaic_0001>

<sc_bundles>
// kernel: kernel.3.cloned.1.call-start
scs
__scs_entry_jumppad:
0x0: {  	(pc) =	sbr.rel $0x88, $3  }
0x1: {  	(tag) =	ssettag $0x0;
	lr =	simm.s32 $0x1  }
0x2: {  	[smem:$0x3FA0] =	sst lr;
	_ =	strace $0xD0000000  }
0x3: {  	_ = 	snop  }
0x4: {  	_ = 	snop  }
0x5: {  	_ = 	snop  }
0x6: {  	_ = 	snop  }
0x7: {  	_ = 	snop  }
__scs_overlays_trampoline_lowered:
0x8: {  	[smem:$0x3FAF] =	sst s0  }
0x9: {  	[smem:$0x3FB0] =	sst s1  }
0xa: {  	[smem:$0x3FB1] =	sst s2  }
0xb: {  	[smem:$0x3FB2] =	sst s3  }
0xc: {  	[smem:$0x3FB3] =	sst s4  }
0xd: {  	[smem:$0x3FB4] =	sst s5  }
0xe: {  	[smem:$0x3FB5] =	sst s6  }
0xf: {  	[smem:$0x3FB6] =	sst s7  }
0x10: {  	[smem:$0x3FB7] =	sst s8  }
0x11: {  	[smem:$0x3FB8] =	sst s9;
	s0 =	simm.s32 @!p0 $0x0  }
0x12: {  	s1 =	sld [smem:$0x3F9E];
	s0 =	simm.s32 @p0 $0x1  }
0x13: {  	[smem:$0x3FB9] =	sst s0;
	s0 =	simm.s32 @!p1 $0x0  }
0x14: {  	s2 =	sld [smem:$0x3F9D];
	s0 =	simm.s32 @p1 $0x1  }
0x15: {  	[smem:$0x3FBA] =	sst s0;
	s0 =	simm.s32 @!p2 $0x0  }
0x16: {  	s3 =	sld [smem:$0x3FDB];
	s0 =	simm.s32 @p2 $0x1  }
0x17: {  	s4 =	simm.s32 $0x1BF5;
	[smem:$0x3FBC] =	sst s0  }
0x18: {  	s0 =	sld [smem:$0x3F9F];
	_ =	swait.ge [sflag:s4], $0x0  }
0x19: {  	s7 =	sld [smem:$0x3FA0]  }
0x1a: {  	s8 =	sadd.s32 $0xFFFFE003, lr  }
0x1b: {  	s9 =	sadd.s32 $0xFFFFFEF7, lr;
	s5 =	simm.s32 $0xFFFFFFFF;
	p2 =	slt.u32 s8, $0xFFFFF086  }
0x1c: {  	p1 =	slt.u32 s9, $0xF7A;
	s5 =	simm.s32 @!p2 $0x0  }
0x1d: {  	s5 =	simm.s32 @p1 $0x1;
	p0 =	seq.s32 s7, s2  }
0x1e: {  	s7 =	smul.u32 @!p0 $0xF7A, s2;
	p2 =	seq.s32 @!p0 s5, $0x0  }
0x1f: {  	s9 =	smul.u32 $0xF7A, s1;
	s8 =	simm.s32 @!p0 $0x1BF5;
	p2 =	por !p2, p0  }
0x20: {  	[sflag:s8] =	ssyncset.s32 @!p0 $0xFFFFF086;
	s6 =	sadd.s32 @!p0 s3, s7;
	s7 =	simm.s32 @!p0 $0x108  }
0x21: {  	s3 =	sadd.s32 s3, s9;
	s6 =	sadd.s32 @!p0 $0x88, s6;
	s7 =	simm.s32 @p2 $0x1082  }
0x22: {  	[simem:s7], [sflag:s8] =	dma.local @!p0 [hbm:s6], $0xF7A  }
0x23: {  	s9 =	sor.u32 $0xD0000000, s2;
	s6 =	simm.s32 $0x108;
	_ =	swait.ge @!p0 [sflag:s8], $0x0  }
0x24: {  	s3 =	sadd.s32 $0x88, s3;
	s6 =	simm.s32 @!p1 $0x1082;
	[sflag:s4] =	ssyncset.s32 $0xFFFFF086  }
0x25: {  	[simem:s6], [sflag:s4] =	dma.local [hbm:s3], $0xF7A  }
0x26: {  	[smem:$0x3FA0] =	sst s1;
	(tag) =	ssettag s2;
	_ =	strace s9  }
0x27: {  	s1 =	sld [smem:$0x3FB0]  }
0x28: {  	s2 =	sld [smem:$0x3FB1]  }
0x29: {  	s4 =	sld [smem:$0x3FB3]  }
0x2a: {  	p0 =	seq.s32 s5, $0x0;
	s5 =	sld [smem:$0x3FB4]  }
0x2b: {  	s6 =	sld [smem:$0x3FB5]  }
0x2c: {  	s7 =	sld [smem:$0x3FB6]  }
0x2d: {  	s3 =	simm.s32 $0x108;
	s8 =	sld [smem:$0x3FB7]  }
0x2e: {  	s3 =	simm.s32 @!p0 $0x1082;
	s9 =	sld [smem:$0x3FB8]  }
0x2f: {  	lr =	sadd.s32 s0, s3;
	s0 =	sld [smem:$0x3FAF]  }
0x30: {  	s3 =	sld [smem:$0x3FB2]  }
0x31: {  	[smem:$0x3FBB] =	sst s10  }
0x32: {  	s10 =	sld [smem:$0x3FB9];
	_ =	sdelay $0x3  }
0x33: {  	p0 =	seq.s32 s10, $0x1;
	s10 =	sld [smem:$0x3FBB];
	_ =	sdelay $0x3  }
0x34: {  	[smem:$0x3FBB] =	sst s10  }
0x35: {  	s10 =	sld [smem:$0x3FBA];
	_ =	sdelay $0x3  }
0x36: {  	p1 =	seq.s32 s10, $0x1;
	s10 =	sld [smem:$0x3FBB];
	_ =	sdelay $0x3  }
0x37: {  	[smem:$0x3FBB] =	sst s10  }
0x38: {  	s10 =	sld [smem:$0x3FBC]  }
0x39: {  	_ = 	snop;
	(pc) =	sbr.ind lr, $3  }
0x3a: {  	_ = 	snop  }
0x3b: {  	_ = 	snop  }
0x3c: {  	p2 =	seq.s32 s10, $0x1;
	s10 =	sld [smem:$0x3FBB]  }
0x3d: {  	_ =	shalt  }
0x3e: {  	_ =	shalt  }
0x3f: {  	_ =	shalt  }
0x40: {  	_ =	shalt  }
0x41: {  	_ =	shalt  }
0x42: {  	_ =	shalt  }
0x43: {  	_ =	shalt  }
0x44: {  	_ =	shalt  }
0x45: {  	_ =	shalt  }
0x46: {  	_ =	shalt  }
0x47: {  	_ =	shalt  }
0x48: {  	_ =	shalt  }
0x49: {  	_ =	shalt  }
0x4a: {  	_ =	shalt  }
0x4b: {  	_ =	shalt  }
0x4c: {  	_ =	shalt  }
0x4d: {  	_ =	shalt  }
0x4e: {  	_ =	shalt  }
0x4f: {  	_ =	shalt  }
0x50: {  	_ =	shalt  }
0x51: {  	_ =	shalt  }
0x52: {  	_ =	shalt  }
0x53: {  	_ =	shalt  }
0x54: {  	_ =	shalt  }
0x55: {  	_ =	shalt  }
0x56: {  	_ =	shalt  }
0x57: {  	_ =	shalt  }
0x58: {  	_ =	shalt  }
0x59: {  	_ =	shalt  }
0x5a: {  	_ =	shalt  }
0x5b: {  	_ =	shalt  }
0x5c: {  	_ =	shalt  }
0x5d: {  	_ =	shalt  }
0x5e: {  	_ =	shalt  }
0x5f: {  	_ =	shalt  }
0x60: {  	_ =	shalt  }
0x61: {  	_ =	shalt  }
0x62: {  	_ =	shalt  }
0x63: {  	_ =	shalt  }
0x64: {  	_ =	shalt  }
0x65: {  	_ =	shalt  }
0x66: {  	_ =	shalt  }
0x67: {  	_ =	shalt  }
0x68: {  	_ =	shalt  }
0x69: {  	_ =	shalt  }
0x6a: {  	_ =	shalt  }
0x6b: {  	_ =	shalt  }
0x6c: {  	_ =	shalt  }
0x6d: {  	_ =	shalt  }
0x6e: {  	_ =	shalt  }
0x6f: {  	_ =	shalt  }
0x70: {  	_ =	shalt  }
0x71: {  	_ =	shalt  }
0x72: {  	_ =	shalt  }
0x73: {  	_ =	shalt  }
0x74: {  	_ =	shalt  }
0x75: {  	_ =	shalt  }
0x76: {  	_ =	shalt  }
0x77: {  	_ =	shalt  }
0x78: {  	_ =	shalt  }
0x79: {  	_ =	shalt  }
0x7a: {  	_ =	shalt  }
0x7b: {  	_ =	shalt  }
0x7c: {  	_ =	shalt  }
0x7d: {  	_ =	shalt  }
0x7e: {  	_ =	shalt  }
0x7f: {  	_ =	shalt  }
0x80: {  	_ =	shalt  }
0x81: {  	_ =	shalt  }
0x82: {  	_ =	shalt  }
0x83: {  	_ =	shalt  }
0x84: {  	_ =	shalt  }
0x85: {  	_ =	shalt  }
0x86: {  	_ =	shalt  }
0x87: {  	_ =	shalt  }
.Lfunc_end0:
.L_simem_size_0:
called_computation_lowered:
.L_overlay_start_0:
0x88: {  	s2 =	sld [smem:$0x3FD9]  }
0x89: {  	s3 =	sld [smem:$0x3FFE];
	_ =	sdelay $0x1  }
0x8a: {  	s1 =	srdreg.scid  }
0x8b: {  	s0 =	sand.u32 $0x1, s1  }
0x8c: {  	s14 =	sshll.u32 s0, $0xA;
	s2 =	sadd.s32 s3, s2  }
0x8d: {  	s2 =	sadd.s32 s2, s14  }
0x8e: {  	[smem:$0x3FC7] =	sst s2  }
0x8f: {  	_ = 	snop  }
0x90: {  	s2 =	sld [smem:$0x3FD0];
	_ =	sdelay $0x2  }
0x91: {  	s4 =	simm.s32 $0xA;
	s5 =	simm.s32 $0x10;
	s15 =	sld [smem:$0x3FC9]  }
0x92: {  	[smem:s5], [sflag:s4] =	dma.local [hbm:s2], $0x1  }
0x93: {  	_ =	swait.eq [sflag:s4], $0x1  }
0x94: {  	[sflag:s4] =	ssyncset.done $0x0  }
0x95: {  	[sflag:s4] =	ssyncadd.s32 $0xFFFFFFFF  }
0x96: {  	s16 =	sld [smem:$0x10];
	(tm) =	ssettm $0x1  }
0x97: {  	s17 =	sld [smem:$0x3FFB];
	_ =	sdelay $0x3  }
0x98: {  	_ =	strace s17  }
0x99: {  	s4 =	sld [smem:$0x3FFC];
	_ =	sdelay $0x3  }
0x9a: {  	_ =	strace s4  }
0x9b: {  	s4 =	sld [smem:$0x3FFD];
	_ =	sdelay $0x3  }
0x9c: {  	_ =	strace s4  }
0x9d: {  	_ =	strace $0x8FFFFFFF  }
0x9e: {  	s18 =	sld [smem:$0x3FDB];
	_ =	sdelay $0x1  }
0x9f: {  	s19 =	simm.s32 $_scs_section_size  }
0xa0: {  	s6 =	simm.s32 $_size__tile_overlayer_lowered;
	s7 =	simm.s32 $_tile_overlayer_lowered  }
0xa1: {  	s22 =	simm.s32 $0x1BFF;
	s21 =	sshll.u32 s7, $0x1;
	s4 =	sadd.s32 s19, s18  }
0xa2: {  	s8 =	simm.s32 $0x0;
	s20 =	sshll.u32 s6, $0x1;
	s6 =	sadd.s32 s21, s4  }
0xa3: {  	[timem:s8], [sflag:s22] =	dma.local [hbm:s6], s20  }
0xa4: {  	_ =	swait.ge [sflag:s22], s20  }
0xa5: {  	s5 =	ssub.s32 $0x0, s20;
	[sflag:s22] =	ssyncset.done $0x0  }
0xa6: {  	[sflag:s22] =	ssyncadd.s32 s5;
	_ =	sdelay $0x1  }
0xa7: {  	s23 =	simm.s32 $0x1B8B  }
0xa8: {  	_ =	swait.ge [sflag:s23], $0x1  }
0xa9: {  	[sflag:s23] =	ssyncset.done $0x0  }
0xaa: {  	s25 =	simm.s32 $0x1B8E;
	s24 =	sld [smem:$0x3FFE];
	[sflag:s23] =	ssyncadd.s32 $0xFFFFFFFF  }
0xab: {  	s26 =	simm.s32 $execute0_lowered;
	[smem:$0x3FD2] =	sst s25  }
0xac: {  	s6 =	sshll.u32 s26, $0x1;
	_ =	strace $0x80000046;
	[dreg:$0x1] =	wrdreg $0xFFFFFFFF  }
0xad: {  	s28 =	simm.s32 $_size_execute0_lowered;
	s4 =	sadd.s32 s4, s6;
	[dreg:$0x0] =	wrdreg $0x0  }
0xae: {  	s6 =	sshll.u32 s28, $0x1;
	[dreg:$0x2] =	wrdreg s4  }
0xaf: {  	[dreg:$0x3] =	wrdreg s6  }
0xb0: {  	[dreg:$0x4] =	wrdreg $0xC0  }
0xb1: {  	_ =	task [dreg:s8], $0x5FFFF  }
0xb2: {  	[dreg:$0x1] =	wrdreg $0xFFFFFFFF  }
0xb3: {  	[dreg:$0x0] =	wrdreg $0x60  }
0xb4: {  	[dreg:$0x2] =	wrdreg s15  }
0xb5: {  	[dreg:$0x3] =	wrdreg s24  }
0xb6: {  	[dreg:$0x4] =	wrdreg s16  }
0xb7: {  	[dreg:$0x5] =	wrdreg $0x9  }
0xb8: {  	_ =	task.clear_ibuf [dreg:s8], $0x6FFFF;
	_ =	strace $0x90000046  }
0xb9: {  	s29 =	simm.s32 $0x9;
	_ =	strace $0x80000048  }
0xba: {  	_ =	swait.ge [sflag:s29], $0x1  }
0xbb: {  	[sflag:s29] =	ssyncadd.s32 $0xFFFFFFFF  }
0xbc: {  	_ =	strace $0x90000048  }
0xbd: {  	_ =	sfence  }
0xbe: {  	s30 =	sld [smem:$0x0];
	_ =	sdelay $0x2  }
0xbf: {  	s31 =	sshll.u32 s1, $0xD;
	s1 =	sshrl.u32 s1, $0x2  }
0xc0: {  	s3 =	sand.u32 $0x4000, s31;
	s1 =	sadd.s32 s1, s30  }
0xc1: {  	s0 =	sor.u32 s3, s0;
	s1 =	sshll.u32 s1, $0x11  }
0xc2: {  	s0 =	sor.u32 s1, s0  }
0xc3: {  	s0 =	sadd.s32 $0x8F2B, s0  }
0xc4: {  	[sflag:s0] =	ssyncadd.remote.s32 $0x1  }
0xc5: {  	_ =	sfence.sel $0xFFFF  }
0xc6: {  	[dreg:$0x0] =	wrdreg $0xFFFFFFFF;
	(pc) =	sbr.abs _section_cstart, $3  }
0xc7: {  	[dreg:$0x1] =	wrdreg $0xFFFFFFFF  }
0xc8: {  	_ =	task.clear_ibuf [dreg:s8], $0x2FFFF;
	_ =	strace $0x9FFFFFFF  }
0xc9: {  	(tm) =	ssettm $0x7FFFFFFF  }
tec
execute0_lowered:
.L_overlay_start_1:
0x0: {  	(tag) =	ssettag $0x1  }
0x1: {  	s1 =	rddreg [dreg:$0x0]  }
0x2: {  	s0 =	srdreg.scid;
	s4 =	rddreg [dreg:$0x1]  }
0x3: {  	s2 =	stileid.u32;
	s5 =	rddreg [dreg:$0x2]  }
0x4: {  	s3 =	simm.s32 $0x0;
	s8 =	simm.s32 $0x4;
	s28 =	simm.s32 $0x1A00  }
0x5: {  	s29 =	simm.s32 $0x2200;
	s30 =	simm.s32 $0x2A00;
	s31 =	simm.s32 $0x3200  }
0x6: {  	s9 =	simm.s32 $0x4A00;
	s10 =	simm.s32 $0x5200;
	s11 =	simm.s32 $0x5A00  }
0x7: {  	s12 =	simm.s32 $0x6200;
	s13 =	simm.s32 $0x6A00;
	s15 =	simm.s32 $0x7200  }
0x8: {  	s16 =	simm.s32 $0x8200;
	s17 =	simm.s32 $0x8A00;
	s18 =	simm.s32 $0x9200  }
0x9: {  	s19 =	simm.s32 $0x9A00;
	s0 =	sand.u32 $0x1, s0;
	s2 =	sshll.u32 s2, $0x1  }
0xa: {  	s14 =	simm.s32 $0xB200;
	s20 =	simm.s32 $0xBA00;
	s2 =	sor.u32 s0, s2  }
0xb: {  	s21 =	simm.s32 $0xC200;
	[smem:$0x7FF] =	sst s3;
	s6 =	smul.u32 $0x39, s2  }
0xc: {  	_ =	strace $0x80000047;
	s0 =	ssub.s32 $0x2, s0;
	s2 =	sshll.u32 s2, $0x6  }
0xd: {  	s25 =	sshrl.u32 s0, $0x1;
	s2 =	sadd.s32 s2, s4;
	s6 =	smin.u32 s6, $0x6D7  }
0xe: {  	s0 =	ssub.s32 s0, s25;
	s2 =	sadd.s32 $0x600, s2;
	s22 =	sshll.u32 s6, $0x9  }
0xf: {  	s25 =	simm.s32 $0xA00;
	[dreg:$0x4] =	wrdreg s2;
	s5 =	sadd.s32 s5, s22  }
0x10: {  	s6 =	smax.u32 s0, $0x1;
	s23 =	sadd.s32 $0x1E00, s5;
	[dreg:$0x8] =	wrdreg s5  }
0x11: {  	v4 =	vlaneseq.u32;
	vm0 =	vmmov $0xffff;
	s22 =	simm.s32 $0xCA00;
	s24 =	sadd.s32 $0x3C00, s5;
	[dreg:$0x5] =	wrdreg s23  }
0x12: {  	v1 =	vshrl.u32 v4, $0x2;
	v0 =	vand.u32 $0x3, v4;
	v4 =	vor.u32 $0xC, v4;
	s26 =	sadd.s32 $0x5A00, s5;
	s5 =	sadd.s32 $0x200, s1;
	[dreg:$0x6] =	wrdreg s24  }
0x13: {  	v1 =	vmul.u32 $0x8, v1;
	v2 =	vor.u32 $0x4, v0;
	v3 =	vor.u32 $0x8, v0;
	[dreg:$0x7] =	wrdreg s26;
	s26 =	simm.s32 $0x1200;
	s23 =	simm.s32 $0x1  }
.LBB2_1:
0x14: {  	s24 =	rddreg [dreg:$0x4];
	s0 =	simm.s32 $0x5  }
0x15: {  	[tilespmem:s3], [sflag:$0x5] =	stream.linear.gather [hbm4b:s24+s3], $0x200, $0x38;
	[tilespmem:$0x1E200] =	vst v63  }
0x16: {  	_ =	swait.ge [sflag:s0], $0x200  }
0x17: {  	[sflag:s0] =	ssyncset.done $0x0  }
0x18: {  	[sflag:s0] =	ssyncadd.s32 $0xFFFFFE00  }
0x19: {  	v5 =	vld [tilespmem:$0x0];
	_ =	sdelay $0x4  }
0x1a: {  	v6 =	vshll.u32 v5, $0x3  }
0x1b: {  	v5 =	vand.u32 $0x7, v5;
	v6 =	vand.u32 $0xFFFFFFC0, v6  }
0x1c: {  	v5 =	vor.u32 v5, v6  }
0x1d: {  	v6 =	vperm.xlane v5, v0;
	_ =	sdelay $0x1  }
0x1e: {  	v6 =	vadd.s32 v1, v6;
	_ =	sdelay $0x1  }
0x1f: {  	v7 =	vperm.xlane v5, v2;
	_ =	sdelay $0x1  }
0x20: {  	s24 =	simm.s32 $0x200;
	v7 =	vadd.s32 v1, v7  }
0x21: {  	[tilespmem:s24], [sflag:$0x1] =	stream.indirect_vreg.gather [hbm4b:s1+s3], $0x80, v6, vm0, $0xb8;
	[tilespmem:$0x1E200] =	vst v63  }
0x22: {  	v8 =	vperm.xlane v5, v3  }
0x23: {  	[tilespmem:s25], [sflag:$0x1] =	stream.indirect_vreg.gather [hbm4b:s5+s3], $0x80, v6, vm0, $0xb8;
	[tilespmem:$0x1E200] =	vst v63  }
0x24: {  	v6 =	vadd.s32 v1, v8  }
0x25: {  	[tilespmem:s26], [sflag:$0x1] =	stream.indirect_vreg.gather [hbm4b:s1+s3], $0x80, v7, vm0, $0xb8;
	[tilespmem:$0x1E200] =	vst v63  }
0x26: {  	v5 =	vperm.xlane v5, v4  }
0x27: {  	[tilespmem:s28], [sflag:$0x1] =	stream.indirect_vreg.gather [hbm4b:s5+s3], $0x80, v7, vm0, $0xb8;
	[tilespmem:$0x1E200] =	vst v63  }
0x28: {  	v5 =	vadd.s32 v1, v5  }
0x29: {  	[tilespmem:s29], [sflag:$0x1] =	stream.indirect_vreg.gather [hbm4b:s1+s3], $0x80, v6, vm0, $0xb8;
	[tilespmem:$0x1E200] =	vst v63  }
0x2a: {  	_ = 	snop  }
0x2b: {  	[tilespmem:s30], [sflag:$0x1] =	stream.indirect_vreg.gather [hbm4b:s5+s3], $0x80, v6, vm0, $0xb8;
	[tilespmem:$0x1E200] =	vst v63  }
0x2c: {  	_ = 	snop  }
0x2d: {  	[tilespmem:s31], [sflag:$0x1] =	stream.indirect_vreg.gather [hbm4b:s1+s3], $0x80, v5, vm0, $0xb8;
	[tilespmem:$0x1E200] =	vst v63  }
0x2e: {  	s2 =	simm.s32 $0x3A00  }
0x2f: {  	[tilespmem:s2], [sflag:$0x1] =	stream.indirect_vreg.gather [hbm4b:s5+s3], $0x80, v5, vm0, $0xb8;
	[tilespmem:$0x1E200] =	vst v63  }
0x30: {  	v5 =	vld [tilespmem:$0x10];
	_ =	sdelay $0x4  }
0x31: {  	v6 =	vshll.u32 v5, $0x3  }
0x32: {  	v5 =	vand.u32 $0x7, v5;
	v6 =	vand.u32 $0xFFFFFFC0, v6  }
0x33: {  	v5 =	vor.u32 v5, v6  }
0x34: {  	v6 =	vperm.xlane v5, v0;
	_ =	sdelay $0x1  }
0x35: {  	v6 =	vadd.s32 v1, v6;
	_ =	sdelay $0x1  }
0x36: {  	v7 =	vperm.xlane v5, v2;
	_ =	sdelay $0x1  }
0x37: {  	s4 =	simm.s32 $0x4200;
	v7 =	vadd.s32 v1, v7  }
0x38: {  	[tilespmem:s4], [sflag:$0x1] =	stream.indirect_vreg.gather [hbm4b:s1+s3], $0x80, v6, vm0, $0xb8;
	[tilespmem:$0x1E200] =	vst v63  }
0x39: {  	v53 =	vperm.xlane v5, v3  }
0x3a: {  	[tilespmem:s9], [sflag:$0x1] =	stream.indirect_vreg.gather [hbm4b:s5+s3], $0x80, v6, vm0, $0xb8;
	[tilespmem:$0x1E200] =	vst v63  }
0x3b: {  	v6 =	vadd.s32 v1, v53  }
0x3c: {  	[tilespmem:s10], [sflag:$0x1] =	stream.indirect_vreg.gather [hbm4b:s1+s3], $0x80, v7, vm0, $0xb8;
	[tilespmem:$0x1E200] =	vst v63  }
0x3d: {  	v5 =	vperm.xlane v5, v4  }
0x3e: {  	[tilespmem:s11], [sflag:$0x1] =	stream.indirect_vreg.gather [hbm4b:s5+s3], $0x80, v7, vm0, $0xb8;
	[tilespmem:$0x1E200] =	vst v63  }
0x3f: {  	v5 =	vadd.s32 v1, v5  }
0x40: {  	[tilespmem:s12], [sflag:$0x1] =	stream.indirect_vreg.gather [hbm4b:s1+s3], $0x80, v6, vm0, $0xb8;
	[tilespmem:$0x1E200] =	vst v63  }
0x41: {  	_ = 	snop  }
0x42: {  	[tilespmem:s13], [sflag:$0x1] =	stream.indirect_vreg.gather [hbm4b:s5+s3], $0x80, v6, vm0, $0xb8;
	[tilespmem:$0x1E200] =	vst v63  }
0x43: {  	_ = 	snop  }
0x44: {  	[tilespmem:s15], [sflag:$0x1] =	stream.indirect_vreg.gather [hbm4b:s1+s3], $0x80, v5, vm0, $0xb8;
	[tilespmem:$0x1E200] =	vst v63  }
0x45: {  	s7 =	simm.s32 $0x7A00  }
0x46: {  	[tilespmem:s7], [sflag:$0x1] =	stream.indirect_vreg.gather [hbm4b:s5+s3], $0x80, v5, vm0, $0xb8;
	[tilespmem:$0x1E200] =	vst v63  }
0x47: {  	v5 =	vld [tilespmem:$0x20];
	_ =	sdelay $0x4  }
0x48: {  	v6 =	vshll.u32 v5, $0x3  }
0x49: {  	v5 =	vand.u32 $0x7, v5;
	v6 =	vand.u32 $0xFFFFFFC0, v6  }
0x4a: {  	v5 =	vor.u32 v5, v6  }
0x4b: {  	v6 =	vperm.xlane v5, v0;
	_ =	sdelay $0x1  }
0x4c: {  	v6 =	vadd.s32 v1, v6;
	_ =	sdelay $0x1  }
0x4d: {  	v7 =	vperm.xlane v5, v2;
	_ =	sdelay $0x1  }
0x4e: {  	v7 =	vadd.s32 v1, v7  }
0x4f: {  	[tilespmem:s16], [sflag:$0x1] =	stream.indirect_vreg.gather [hbm4b:s1+s3], $0x80, v6, vm0, $0xb8;
	[tilespmem:$0x1E200] =	vst v63  }
0x50: {  	v54 =	vperm.xlane v5, v3  }
0x51: {  	[tilespmem:s17], [sflag:$0x1] =	stream.indirect_vreg.gather [hbm4b:s5+s3], $0x80, v6, vm0, $0xb8;
	[tilespmem:$0x1E200] =	vst v63  }
0x52: {  	v6 =	vadd.s32 v1, v54  }
0x53: {  	[tilespmem:s18], [sflag:$0x1] =	stream.indirect_vreg.gather [hbm4b:s1+s3], $0x80, v7, vm0, $0xb8;
	[tilespmem:$0x1E200] =	vst v63  }
0x54: {  	v5 =	vperm.xlane v5, v4  }
0x55: {  	[tilespmem:s19], [sflag:$0x1] =	stream.indirect_vreg.gather [hbm4b:s5+s3], $0x80, v7, vm0, $0xb8;
	[tilespmem:$0x1E200] =	vst v63  }
0x56: {  	s7 =	simm.s32 $0xA200;
	v5 =	vadd.s32 v1, v5  }
0x57: {  	[tilespmem:s7], [sflag:$0x1] =	stream.indirect_vreg.gather [hbm4b:s1+s3], $0x80, v6, vm0, $0xb8;
	[tilespmem:$0x1E200] =	vst v63  }
0x58: {  	s24 =	simm.s32 $0xAA00  }
0x59: {  	[tilespmem:s24], [sflag:$0x1] =	stream.indirect_vreg.gather [hbm4b:s5+s3], $0x80, v6, vm0, $0xb8;
	[tilespmem:$0x1E200] =	vst v63  }
0x5a: {  	_ = 	snop  }
0x5b: {  	[tilespmem:s14], [sflag:$0x1] =	stream.indirect_vreg.gather [hbm4b:s1+s3], $0x80, v5, vm0, $0xb8;
	[tilespmem:$0x1E200] =	vst v63  }
0x5c: {  	_ = 	snop  }
0x5d: {  	[tilespmem:s20], [sflag:$0x1] =	stream.indirect_vreg.gather [hbm4b:s5+s3], $0x80, v5, vm0, $0xb8;
	[tilespmem:$0x1E200] =	vst v63  }
0x5e: {  	v5 =	vld.msk [tilespmem:$0x30], $0xfff;
	_ =	sdelay $0x4  }
0x5f: {  	v6 =	vshll.u32 v5, $0x3  }
0x60: {  	v5 =	vand.u32 $0x7, v5;
	v6 =	vand.u32 $0xFFFFFFC0, v6  }
0x61: {  	v5 =	vor.u32 v5, v6  }
0x62: {  	v6 =	vperm.xlane v5, v0;
	_ =	sdelay $0x1  }
0x63: {  	v6 =	vadd.s32 v1, v6;
	_ =	sdelay $0x1  }
0x64: {  	v7 =	vperm.xlane v5, v2;
	_ =	sdelay $0x1  }
0x65: {  	v7 =	vadd.s32 v1, v7  }
0x66: {  	[tilespmem:s21], [sflag:$0x1] =	stream.indirect_vreg.gather [hbm4b:s1+s3], $0x80, v6, vm0, $0xb8;
	[tilespmem:$0x1E200] =	vst v63  }
0x67: {  	v5 =	vperm.xlane v5, v3  }
0x68: {  	[tilespmem:s22], [sflag:$0x1] =	stream.indirect_vreg.gather [hbm4b:s5+s3], $0x80, v6, vm0, $0xb8;
	[tilespmem:$0x1E200] =	vst v63  }
0x69: {  	s2 =	simm.s32 $0xD200;
	v5 =	vadd.s32 v1, v5  }
0x6a: {  	[tilespmem:s2], [sflag:$0x1] =	stream.indirect_vreg.gather [hbm4b:s1+s3], $0x80, v7, vm0, $0xb8;
	[tilespmem:$0x1E200] =	vst v63  }
0x6b: {  	s4 =	simm.s32 $0xDA00  }
0x6c: {  	[tilespmem:s4], [sflag:$0x1] =	stream.indirect_vreg.gather [hbm4b:s5+s3], $0x80, v7, vm0, $0xb8;
	[tilespmem:$0x1E200] =	vst v63  }
0x6d: {  	s24 =	simm.s32 $0xE200  }
0x6e: {  	[tilespmem:s24], [sflag:$0x1] =	stream.indirect_vreg.gather [hbm4b:s1+s3], $0x80, v5, vm0, $0xb8;
	[tilespmem:$0x1E200] =	vst v63  }
0x6f: {  	s2 =	simm.s32 $0xEA00  }
0x70: {  	[tilespmem:s2], [sflag:$0x1] =	stream.indirect_vreg.gather [hbm4b:s5+s3], $0x80, v5, vm0, $0xb8;
	[tilespmem:$0x1E200] =	vst v63  }
0x71: {  	v5 =	vld [tilespmem:$0x80];
	_ =	sdelay $0x4  }
0x72: {  	v6 =	vshll.u32 v5, $0x3  }
0x73: {  	v5 =	vand.u32 $0x7, v5;
	v6 =	vand.u32 $0xFFFFFFC0, v6  }
0x74: {  	v5 =	vor.u32 v5, v6  }
0x75: {  	v6 =	vperm.xlane v5, v0;
	_ =	sdelay $0x1  }
0x76: {  	v6 =	vadd.s32 v1, v6;
	_ =	sdelay $0x1  }
0x77: {  	v7 =	vperm.xlane v5, v2;
	_ =	sdelay $0x1  }
0x78: {  	s0 =	simm.s32 $0xF200;
	v7 =	vadd.s32 v1, v7  }
0x79: {  	[tilespmem:s0], [sflag:$0x2] =	stream.indirect_vreg.gather [hbm4b:s1+s3], $0x80, v6, vm0, $0xb8;
	[tilespmem:$0x1E200] =	vst v63  }
0x7a: {  	s2 =	simm.s32 $0xFA00;
	v55 =	vperm.xlane v5, v3  }
0x7b: {  	[tilespmem:s2], [sflag:$0x2] =	stream.indirect_vreg.gather [hbm4b:s5+s3], $0x80, v6, vm0, $0xb8;
	[tilespmem:$0x1E200] =	vst v63  }
0x7c: {  	s4 =	simm.s32 $0x10200;
	v6 =	vadd.s32 v1, v55  }
0x7d: {  	[tilespmem:s4], [sflag:$0x2] =	stream.indirect_vreg.gather [hbm4b:s1+s3], $0x80, v7, vm0, $0xb8;
	[tilespmem:$0x1E200] =	vst v63  }
0x7e: {  	s24 =	simm.s32 $0x10A00;
	v5 =	vperm.xlane v5, v4  }
0x7f: {  	[tilespmem:s24], [sflag:$0x2] =	stream.indirect_vreg.gather [hbm4b:s5+s3], $0x80, v7, vm0, $0xb8;
	[tilespmem:$0x1E200] =	vst v63  }
0x80: {  	v5 =	vadd.s32 v1, v5;
	s4 =	simm.s32 $0x11200  }
0x81: {  	[tilespmem:s4], [sflag:$0x2] =	stream.indirect_vreg.gather [hbm4b:s1+s3], $0x80, v6, vm0, $0xb8;
	[tilespmem:$0x1E200] =	vst v63  }
0x82: {  	s24 =	simm.s32 $0x11A00  }
0x83: {  	[tilespmem:s24], [sflag:$0x2] =	stream.indirect_vreg.gather [hbm4b:s5+s3], $0x80, v6, vm0, $0xb8;
	[tilespmem:$0x1E200] =	vst v63  }
0x84: {  	s4 =	simm.s32 $0x12200  }
0x85: {  	[tilespmem:s4], [sflag:$0x2] =	stream.indirect_vreg.gather [hbm4b:s1+s3], $0x80, v5, vm0, $0xb8;
	[tilespmem:$0x1E200] =	vst v63  }
0x86: {  	s24 =	simm.s32 $0x12A00  }
0x87: {  	[tilespmem:s24], [sflag:$0x2] =	stream.indirect_vreg.gather [hbm4b:s5+s3], $0x80, v5, vm0, $0xb8;
	[tilespmem:$0x1E200] =	vst v63  }
0x88: {  	v5 =	vld [tilespmem:$0x90];
	_ =	sdelay $0x4  }
0x89: {  	v6 =	vshll.u32 v5, $0x3  }
0x8a: {  	v5 =	vand.u32 $0x7, v5;
	v6 =	vand.u32 $0xFFFFFFC0, v6  }
0x8b: {  	v5 =	vor.u32 v5, v6  }
0x8c: {  	v6 =	vperm.xlane v5, v0;
	_ =	sdelay $0x1  }
0x8d: {  	v6 =	vadd.s32 v1, v6;
	_ =	sdelay $0x1  }
0x8e: {  	v7 =	vperm.xlane v5, v2;
	_ =	sdelay $0x1  }
0x8f: {  	s4 =	simm.s32 $0x13200;
	v7 =	vadd.s32 v1, v7  }
0x90: {  	[tilespmem:s4], [sflag:$0x2] =	stream.indirect_vreg.gather [hbm4b:s1+s3], $0x80, v6, vm0, $0xb8;
	[tilespmem:$0x1E200] =	vst v63  }
0x91: {  	s24 =	simm.s32 $0x13A00;
	v56 =	vperm.xlane v5, v3  }
0x92: {  	[tilespmem:s24], [sflag:$0x2] =	stream.indirect_vreg.gather [hbm4b:s5+s3], $0x80, v6, vm0, $0xb8;
	[tilespmem:$0x1E200] =	vst v63  }
0x93: {  	s4 =	simm.s32 $0x14200;
	v6 =	vadd.s32 v1, v56  }
0x94: {  	[tilespmem:s4], [sflag:$0x2] =	stream.indirect_vreg.gather [hbm4b:s1+s3], $0x80, v7, vm0, $0xb8;
	[tilespmem:$0x1E200] =	vst v63  }
0x95: {  	v5 =	vperm.xlane v5, v4;
	s24 =	simm.s32 $0x14A00  }
0x96: {  	[tilespmem:s24], [sflag:$0x2] =	stream.indirect_vreg.gather [hbm4b:s5+s3], $0x80, v7, vm0, $0xb8;
	[tilespmem:$0x1E200] =	vst v63  }
0x97: {  	v5 =	vadd.s32 v1, v5;
	s4 =	simm.s32 $0x15200  }
0x98: {  	[tilespmem:s4], [sflag:$0x2] =	stream.indirect_vreg.gather [hbm4b:s1+s3], $0x80, v6, vm0, $0xb8;
	[tilespmem:$0x1E200] =	vst v63  }
0x99: {  	s24 =	simm.s32 $0x15A00  }
0x9a: {  	[tilespmem:s24], [sflag:$0x2] =	stream.indirect_vreg.gather [hbm4b:s5+s3], $0x80, v6, vm0, $0xb8;
	[tilespmem:$0x1E200] =	vst v63  }
0x9b: {  	s4 =	simm.s32 $0x16200  }
0x9c: {  	[tilespmem:s4], [sflag:$0x2] =	stream.indirect_vreg.gather [hbm4b:s1+s3], $0x80, v5, vm0, $0xb8;
	[tilespmem:$0x1E200] =	vst v63  }
0x9d: {  	s24 =	simm.s32 $0x16A00  }
0x9e: {  	[tilespmem:s24], [sflag:$0x2] =	stream.indirect_vreg.gather [hbm4b:s5+s3], $0x80, v5, vm0, $0xb8;
	[tilespmem:$0x1E200] =	vst v63  }
0x9f: {  	v5 =	vld [tilespmem:$0xA0];
	_ =	sdelay $0x4  }
0xa0: {  	v6 =	vshll.u32 v5, $0x3  }
0xa1: {  	v5 =	vand.u32 $0x7, v5;
	v6 =	vand.u32 $0xFFFFFFC0, v6  }
0xa2: {  	v5 =	vor.u32 v5, v6  }
0xa3: {  	v6 =	vperm.xlane v5, v0;
	_ =	sdelay $0x1  }
0xa4: {  	v6 =	vadd.s32 v1, v6;
	_ =	sdelay $0x1  }
0xa5: {  	v7 =	vperm.xlane v5, v2;
	_ =	sdelay $0x1  }
0xa6: {  	s4 =	simm.s32 $0x17200;
	v7 =	vadd.s32 v1, v7  }
0xa7: {  	[tilespmem:s4], [sflag:$0x2] =	stream.indirect_vreg.gather [hbm4b:s1+s3], $0x80, v6, vm0, $0xb8;
	[tilespmem:$0x1E200] =	vst v63  }
0xa8: {  	s24 =	simm.s32 $0x17A00;
	v57 =	vperm.xlane v5, v3  }
0xa9: {  	[tilespmem:s24], [sflag:$0x2] =	stream.indirect_vreg.gather [hbm4b:s5+s3], $0x80, v6, vm0, $0xb8;
	[tilespmem:$0x1E200] =	vst v63  }
0xaa: {  	s4 =	simm.s32 $0x18200;
	v6 =	vadd.s32 v1, v57  }
0xab: {  	[tilespmem:s4], [sflag:$0x2] =	stream.indirect_vreg.gather [hbm4b:s1+s3], $0x80, v7, vm0, $0xb8;
	[tilespmem:$0x1E200] =	vst v63  }
0xac: {  	v5 =	vperm.xlane v5, v4;
	s24 =	simm.s32 $0x18A00  }
0xad: {  	[tilespmem:s24], [sflag:$0x2] =	stream.indirect_vreg.gather [hbm4b:s5+s3], $0x80, v7, vm0, $0xb8;
	[tilespmem:$0x1E200] =	vst v63  }
0xae: {  	v5 =	vadd.s32 v1, v5;
	s4 =	simm.s32 $0x19200  }
0xaf: {  	[tilespmem:s4], [sflag:$0x2] =	stream.indirect_vreg.gather [hbm4b:s1+s3], $0x80, v6, vm0, $0xb8;
	[tilespmem:$0x1E200] =	vst v63  }
0xb0: {  	s24 =	simm.s32 $0x19A00  }
0xb1: {  	[tilespmem:s24], [sflag:$0x2] =	stream.indirect_vreg.gather [hbm4b:s5+s3], $0x80, v6, vm0, $0xb8;
	[tilespmem:$0x1E200] =	vst v63  }
0xb2: {  	s4 =	simm.s32 $0x1A200  }
0xb3: {  	[tilespmem:s4], [sflag:$0x2] =	stream.indirect_vreg.gather [hbm4b:s1+s3], $0x80, v5, vm0, $0xb8;
	[tilespmem:$0x1E200] =	vst v63  }
0xb4: {  	s24 =	simm.s32 $0x1AA00  }
0xb5: {  	[tilespmem:s24], [sflag:$0x2] =	stream.indirect_vreg.gather [hbm4b:s5+s3], $0x80, v5, vm0, $0xb8;
	[tilespmem:$0x1E200] =	vst v63  }
0xb6: {  	v5 =	vld.msk [tilespmem:$0xB0], $0xfff;
	_ =	sdelay $0x4  }
0xb7: {  	v6 =	vshll.u32 v5, $0x3  }
0xb8: {  	v5 =	vand.u32 $0x7, v5;
	v6 =	vand.u32 $0xFFFFFFC0, v6  }
0xb9: {  	v5 =	vor.u32 v5, v6  }
0xba: {  	v6 =	vperm.xlane v5, v0;
	_ =	sdelay $0x1  }
0xbb: {  	v6 =	vadd.s32 v1, v6;
	_ =	sdelay $0x1  }
0xbc: {  	v7 =	vperm.xlane v5, v2;
	_ =	sdelay $0x1  }
0xbd: {  	s4 =	simm.s32 $0x1B200;
	v7 =	vadd.s32 v1, v7  }
0xbe: {  	[tilespmem:s4], [sflag:$0x2] =	stream.indirect_vreg.gather [hbm4b:s1+s3], $0x80, v6, vm0, $0xb8;
	[tilespmem:$0x1E200] =	vst v63  }
0xbf: {  	s24 =	simm.s32 $0x1BA00;
	v5 =	vperm.xlane v5, v3  }
0xc0: {  	[tilespmem:s24], [sflag:$0x2] =	stream.indirect_vreg.gather [hbm4b:s5+s3], $0x80, v6, vm0, $0xb8;
	[tilespmem:$0x1E200] =	vst v63  }
0xc1: {  	v5 =	vadd.s32 v1, v5;
	s4 =	simm.s32 $0x1C200  }
0xc2: {  	[tilespmem:s4], [sflag:$0x2] =	stream.indirect_vreg.gather [hbm4b:s1+s3], $0x80, v7, vm0, $0xb8;
	[tilespmem:$0x1E200] =	vst v63  }
0xc3: {  	s24 =	simm.s32 $0x1CA00  }
0xc4: {  	[tilespmem:s24], [sflag:$0x2] =	stream.indirect_vreg.gather [hbm4b:s5+s3], $0x80, v7, vm0, $0xb8;
	[tilespmem:$0x1E200] =	vst v63  }
0xc5: {  	s4 =	simm.s32 $0x1D200  }
0xc6: {  	[tilespmem:s4], [sflag:$0x2] =	stream.indirect_vreg.gather [hbm4b:s1+s3], $0x80, v5, vm0, $0xb8;
	[tilespmem:$0x1E200] =	vst v63  }
0xc7: {  	s24 =	simm.s32 $0x1DA00  }
0xc8: {  	[tilespmem:s24], [sflag:$0x2] =	stream.indirect_vreg.gather [hbm4b:s5+s3], $0x80, v5, vm0, $0xb8;
	[tilespmem:$0x1E200] =	vst v63  }
0xc9: {  	_ =	swait.ge [sflag:s23], $0xF000  }
0xca: {  	[sflag:s23] =	ssyncset.done $0x0  }
0xcb: {  	s4 =	simm.s32 $0x200;
	s2 =	rddreg [dreg:$0x8];
	[sflag:s23] =	ssyncadd.s32 $0xFFFF1000  }
0xcc: {  	[hbm4b:s2+s3] =	stream.linear.scatter [tilespmem:s4], [sflag:$0x3], $0xF000, $0x38;
	[tilespmem:$0x1E200] =	vst v63  }
0xcd: {  	s2 =	simm.s32 $0x3  }
0xce: {  	_ =	swait.ge [sflag:s2], $0xF000  }
0xcf: {  	[sflag:s2] =	ssyncset.done $0x0  }
0xd0: {  	[sflag:s2] =	ssyncadd.s32 $0xFFFF1000  }
0xd1: {  	v5 =	vld [tilespmem:$0x100];
	_ =	sdelay $0x4  }
0xd2: {  	v6 =	vshll.u32 v5, $0x3  }
0xd3: {  	v5 =	vand.u32 $0x7, v5;
	v6 =	vand.u32 $0xFFFFFFC0, v6  }
0xd4: {  	v5 =	vor.u32 v5, v6  }
0xd5: {  	v6 =	vperm.xlane v5, v0;
	_ =	sdelay $0x1  }
0xd6: {  	v6 =	vadd.s32 v1, v6;
	_ =	sdelay $0x1  }
0xd7: {  	v7 =	vperm.xlane v5, v2;
	_ =	sdelay $0x1  }
0xd8: {  	v7 =	vadd.s32 v1, v7  }
0xd9: {  	[tilespmem:s4], [sflag:$0x1] =	stream.indirect_vreg.gather [hbm4b:s1+s3], $0x80, v6, vm0, $0xb8;
	[tilespmem:$0x1E200] =	vst v63  }
0xda: {  	v58 =	vperm.xlane v5, v3  }
0xdb: {  	[tilespmem:s25], [sflag:$0x1] =	stream.indirect_vreg.gather [hbm4b:s5+s3], $0x80, v6, vm0, $0xb8;
	[tilespmem:$0x1E200] =	vst v63  }
0xdc: {  	v6 =	vadd.s32 v1, v58  }
0xdd: {  	[tilespmem:s26], [sflag:$0x1] =	stream.indirect_vreg.gather [hbm4b:s1+s3], $0x80, v7, vm0, $0xb8;
	[tilespmem:$0x1E200] =	vst v63  }
0xde: {  	v5 =	vperm.xlane v5, v4  }
0xdf: {  	[tilespmem:s28], [sflag:$0x1] =	stream.indirect_vreg.gather [hbm4b:s5+s3], $0x80, v7, vm0, $0xb8;
	[tilespmem:$0x1E200] =	vst v63  }
0xe0: {  	v5 =	vadd.s32 v1, v5  }
0xe1: {  	[tilespmem:s29], [sflag:$0x1] =	stream.indirect_vreg.gather [hbm4b:s1+s3], $0x80, v6, vm0, $0xb8;
	[tilespmem:$0x1E200] =	vst v63  }
0xe2: {  	_ = 	snop  }
0xe3: {  	[tilespmem:s30], [sflag:$0x1] =	stream.indirect_vreg.gather [hbm4b:s5+s3], $0x80, v6, vm0, $0xb8;
	[tilespmem:$0x1E200] =	vst v63  }
0xe4: {  	_ = 	snop  }
0xe5: {  	[tilespmem:s31], [sflag:$0x1] =	stream.indirect_vreg.gather [hbm4b:s1+s3], $0x80, v5, vm0, $0xb8;
	[tilespmem:$0x1E200] =	vst v63  }
0xe6: {  	s24 =	simm.s32 $0x3A00  }
0xe7: {  	[tilespmem:s24], [sflag:$0x1] =	stream.indirect_vreg.gather [hbm4b:s5+s3], $0x80, v5, vm0, $0xb8;
	[tilespmem:$0x1E200] =	vst v63  }
0xe8: {  	v5 =	vld [tilespmem:$0x110];
	_ =	sdelay $0x4  }
0xe9: {  	v6 =	vshll.u32 v5, $0x3  }
0xea: {  	v5 =	vand.u32 $0x7, v5;
	v6 =	vand.u32 $0xFFFFFFC0, v6  }
0xeb: {  	v5 =	vor.u32 v5, v6  }
0xec: {  	v6 =	vperm.xlane v5, v0;
	_ =	sdelay $0x1  }
0xed: {  	v6 =	vadd.s32 v1, v6;
	_ =	sdelay $0x1  }
0xee: {  	v7 =	vperm.xlane v5, v2;
	_ =	sdelay $0x1  }
0xef: {  	s24 =	simm.s32 $0x4200;
	v7 =	vadd.s32 v1, v7  }
0xf0: {  	[tilespmem:s24], [sflag:$0x1] =	stream.indirect_vreg.gather [hbm4b:s1+s3], $0x80, v6, vm0, $0xb8;
	[tilespmem:$0x1E200] =	vst v63  }
0xf1: {  	v59 =	vperm.xlane v5, v3  }
0xf2: {  	[tilespmem:s9], [sflag:$0x1] =	stream.indirect_vreg.gather [hbm4b:s5+s3], $0x80, v6, vm0, $0xb8;
	[tilespmem:$0x1E200] =	vst v63  }
0xf3: {  	v6 =	vadd.s32 v1, v59  }
0xf4: {  	[tilespmem:s10], [sflag:$0x1] =	stream.indirect_vreg.gather [hbm4b:s1+s3], $0x80, v7, vm0, $0xb8;
	[tilespmem:$0x1E200] =	vst v63  }
0xf5: {  	v5 =	vperm.xlane v5, v4  }
0xf6: {  	[tilespmem:s11], [sflag:$0x1] =	stream.indirect_vreg.gather [hbm4b:s5+s3], $0x80, v7, vm0, $0xb8;
	[tilespmem:$0x1E200] =	vst v63  }
0xf7: {  	v5 =	vadd.s32 v1, v5  }
0xf8: {  	[tilespmem:s12], [sflag:$0x1] =	stream.indirect_vreg.gather [hbm4b:s1+s3], $0x80, v6, vm0, $0xb8;
	[tilespmem:$0x1E200] =	vst v63  }
0xf9: {  	_ = 	snop  }
0xfa: {  	[tilespmem:s13], [sflag:$0x1] =	stream.indirect_vreg.gather [hbm4b:s5+s3], $0x80, v6, vm0, $0xb8;
	[tilespmem:$0x1E200] =	vst v63  }
0xfb: {  	_ = 	snop  }
0xfc: {  	[tilespmem:s15], [sflag:$0x1] =	stream.indirect_vreg.gather [hbm4b:s1+s3], $0x80, v5, vm0, $0xb8;
	[tilespmem:$0x1E200] =	vst v63  }
0xfd: {  	s24 =	simm.s32 $0x7A00  }
0xfe: {  	[tilespmem:s24], [sflag:$0x1] =	stream.indirect_vreg.gather [hbm4b:s5+s3], $0x80, v5, vm0, $0xb8;
	[tilespmem:$0x1E200] =	vst v63  }
0xff: {  	v5 =	vld [tilespmem:$0x120];
	_ =	sdelay $0x4  }
0x100: {  	v6 =	vshll.u32 v5, $0x3  }
0x101: {  	v5 =	vand.u32 $0x7, v5;
	v6 =	vand.u32 $0xFFFFFFC0, v6  }
0x102: {  	v5 =	vor.u32 v5, v6  }
0x103: {  	v6 =	vperm.xlane v5, v0;
	_ =	sdelay $0x1  }
0x104: {  	v6 =	vadd.s32 v1, v6;
	_ =	sdelay $0x1  }
0x105: {  	v7 =	vperm.xlane v5, v2;
	_ =	sdelay $0x1  }
0x106: {  	v7 =	vadd.s32 v1, v7  }
0x107: {  	[tilespmem:s16], [sflag:$0x1] =	stream.indirect_vreg.gather [hbm4b:s1+s3], $0x80, v6, vm0, $0xb8;
	[tilespmem:$0x1E200] =	vst v63  }
0x108: {  	v60 =	vperm.xlane v5, v3  }
0x109: {  	[tilespmem:s17], [sflag:$0x1] =	stream.indirect_vreg.gather [hbm4b:s5+s3], $0x80, v6, vm0, $0xb8;
	[tilespmem:$0x1E200] =	vst v63  }
0x10a: {  	v6 =	vadd.s32 v1, v60  }
0x10b: {  	[tilespmem:s18], [sflag:$0x1] =	stream.indirect_vreg.gather [hbm4b:s1+s3], $0x80, v7, vm0, $0xb8;
	[tilespmem:$0x1E200] =	vst v63  }
0x10c: {  	v5 =	vperm.xlane v5, v4  }
0x10d: {  	[tilespmem:s19], [sflag:$0x1] =	stream.indirect_vreg.gather [hbm4b:s5+s3], $0x80, v7, vm0, $0xb8;
	[tilespmem:$0x1E200] =	vst v63  }
0x10e: {  	v5 =	vadd.s32 v1, v5  }
0x10f: {  	[tilespmem:s7], [sflag:$0x1] =	stream.indirect_vreg.gather [hbm4b:s1+s3], $0x80, v6, vm0, $0xb8;
	[tilespmem:$0x1E200] =	vst v63  }
0x110: {  	s24 =	simm.s32 $0xAA00  }
0x111: {  	[tilespmem:s24], [sflag:$0x1] =	stream.indirect_vreg.gather [hbm4b:s5+s3], $0x80, v6, vm0, $0xb8;
	[tilespmem:$0x1E200] =	vst v63  }
0x112: {  	_ = 	snop  }
0x113: {  	[tilespmem:s14], [sflag:$0x1] =	stream.indirect_vreg.gather [hbm4b:s1+s3], $0x80, v5, vm0, $0xb8;
	[tilespmem:$0x1E200] =	vst v63  }
0x114: {  	_ = 	snop  }
0x115: {  	[tilespmem:s20], [sflag:$0x1] =	stream.indirect_vreg.gather [hbm4b:s5+s3], $0x80, v5, vm0, $0xb8;
	[tilespmem:$0x1E200] =	vst v63  }
0x116: {  	v5 =	vld.msk [tilespmem:$0x130], $0xfff;
	_ =	sdelay $0x4  }
0x117: {  	v6 =	vshll.u32 v5, $0x3  }
0x118: {  	v5 =	vand.u32 $0x7, v5;
	v6 =	vand.u32 $0xFFFFFFC0, v6  }
0x119: {  	v5 =	vor.u32 v5, v6  }
0x11a: {  	v6 =	vperm.xlane v5, v0;
	_ =	sdelay $0x1  }
0x11b: {  	v6 =	vadd.s32 v1, v6;
	_ =	sdelay $0x1  }
0x11c: {  	v7 =	vperm.xlane v5, v2;
	_ =	sdelay $0x1  }
0x11d: {  	v7 =	vadd.s32 v1, v7  }
0x11e: {  	[tilespmem:s21], [sflag:$0x1] =	stream.indirect_vreg.gather [hbm4b:s1+s3], $0x80, v6, vm0, $0xb8;
	[tilespmem:$0x1E200] =	vst v63  }
0x11f: {  	v5 =	vperm.xlane v5, v3  }
0x120: {  	[tilespmem:s22], [sflag:$0x1] =	stream.indirect_vreg.gather [hbm4b:s5+s3], $0x80, v6, vm0, $0xb8;
	[tilespmem:$0x1E200] =	vst v63  }
0x121: {  	s7 =	simm.s32 $0xD200;
	v5 =	vadd.s32 v1, v5  }
0x122: {  	[tilespmem:s7], [sflag:$0x1] =	stream.indirect_vreg.gather [hbm4b:s1+s3], $0x80, v7, vm0, $0xb8;
	[tilespmem:$0x1E200] =	vst v63  }
0x123: {  	s24 =	simm.s32 $0xDA00  }
0x124: {  	[tilespmem:s24], [sflag:$0x1] =	stream.indirect_vreg.gather [hbm4b:s5+s3], $0x80, v7, vm0, $0xb8;
	[tilespmem:$0x1E200] =	vst v63  }
0x125: {  	s7 =	simm.s32 $0xE200  }
0x126: {  	[tilespmem:s7], [sflag:$0x1] =	stream.indirect_vreg.gather [hbm4b:s1+s3], $0x80, v5, vm0, $0xb8;
	[tilespmem:$0x1E200] =	vst v63  }
0x127: {  	s24 =	simm.s32 $0xEA00;
	s7 =	simm.s32 $0x2  }
0x128: {  	[tilespmem:s24], [sflag:$0x1] =	stream.indirect_vreg.gather [hbm4b:s5+s3], $0x80, v5, vm0, $0xb8;
	[tilespmem:$0x1E200] =	vst v63  }
0x129: {  	_ =	swait.ge [sflag:s7], $0xF000  }
0x12a: {  	[sflag:s7] =	ssyncset.done $0x0  }
0x12b: {  	s4 =	rddreg [dreg:$0x5];
	[sflag:s7] =	ssyncadd.s32 $0xFFFF1000  }
0x12c: {  	[hbm4b:s4+s3] =	stream.linear.scatter [tilespmem:s0], [sflag:$0x4], $0xF000, $0x38;
	[tilespmem:$0x1E200] =	vst v63  }
0x12d: {  	_ =	swait.ge [sflag:s8], $0xF000  }
0x12e: {  	[sflag:s8] =	ssyncset.done $0x0  }
0x12f: {  	[sflag:s8] =	ssyncadd.s32 $0xFFFF1000  }
0x130: {  	v5 =	vld [tilespmem:$0x180];
	_ =	sdelay $0x4  }
0x131: {  	v6 =	vshll.u32 v5, $0x3  }
0x132: {  	v5 =	vand.u32 $0x7, v5;
	v6 =	vand.u32 $0xFFFFFFC0, v6  }
0x133: {  	v5 =	vor.u32 v5, v6  }
0x134: {  	v6 =	vperm.xlane v5, v0;
	_ =	sdelay $0x1  }
0x135: {  	v6 =	vadd.s32 v1, v6;
	_ =	sdelay $0x1  }
0x136: {  	v7 =	vperm.xlane v5, v2;
	_ =	sdelay $0x1  }
0x137: {  	v7 =	vadd.s32 v1, v7  }
0x138: {  	[tilespmem:s0], [sflag:$0x2] =	stream.indirect_vreg.gather [hbm4b:s1+s3], $0x80, v6, vm0, $0xb8;
	[tilespmem:$0x1E200] =	vst v63  }
0x139: {  	s24 =	simm.s32 $0xFA00;
	v61 =	vperm.xlane v5, v3  }
0x13a: {  	[tilespmem:s24], [sflag:$0x2] =	stream.indirect_vreg.gather [hbm4b:s5+s3], $0x80, v6, vm0, $0xb8;
	[tilespmem:$0x1E200] =	vst v63  }
0x13b: {  	v6 =	vadd.s32 v1, v61;
	s24 =	simm.s32 $0x10200  }
0x13c: {  	[tilespmem:s24], [sflag:$0x2] =	stream.indirect_vreg.gather [hbm4b:s1+s3], $0x80, v7, vm0, $0xb8;
	[tilespmem:$0x1E200] =	vst v63  }
0x13d: {  	v5 =	vperm.xlane v5, v4;
	s24 =	simm.s32 $0x10A00  }
0x13e: {  	[tilespmem:s24], [sflag:$0x2] =	stream.indirect_vreg.gather [hbm4b:s5+s3], $0x80, v7, vm0, $0xb8;
	[tilespmem:$0x1E200] =	vst v63  }
0x13f: {  	v5 =	vadd.s32 v1, v5;
	s24 =	simm.s32 $0x11200  }
0x140: {  	[tilespmem:s24], [sflag:$0x2] =	stream.indirect_vreg.gather [hbm4b:s1+s3], $0x80, v6, vm0, $0xb8;
	[tilespmem:$0x1E200] =	vst v63  }
0x141: {  	s24 =	simm.s32 $0x11A00  }
0x142: {  	[tilespmem:s24], [sflag:$0x2] =	stream.indirect_vreg.gather [hbm4b:s5+s3], $0x80, v6, vm0, $0xb8;
	[tilespmem:$0x1E200] =	vst v63  }
0x143: {  	s24 =	simm.s32 $0x12200  }
0x144: {  	[tilespmem:s24], [sflag:$0x2] =	stream.indirect_vreg.gather [hbm4b:s1+s3], $0x80, v5, vm0, $0xb8;
	[tilespmem:$0x1E200] =	vst v63  }
0x145: {  	s24 =	simm.s32 $0x12A00  }
0x146: {  	[tilespmem:s24], [sflag:$0x2] =	stream.indirect_vreg.gather [hbm4b:s5+s3], $0x80, v5, vm0, $0xb8;
	[tilespmem:$0x1E200] =	vst v63  }
0x147: {  	v5 =	vld [tilespmem:$0x190];
	_ =	sdelay $0x4  }
0x148: {  	v6 =	vshll.u32 v5, $0x3  }
0x149: {  	v5 =	vand.u32 $0x7, v5;
	v6 =	vand.u32 $0xFFFFFFC0, v6  }
0x14a: {  	v5 =	vor.u32 v5, v6  }
0x14b: {  	v6 =	vperm.xlane v5, v0;
	_ =	sdelay $0x1  }
0x14c: {  	v6 =	vadd.s32 v1, v6;
	_ =	sdelay $0x1  }
0x14d: {  	v7 =	vperm.xlane v5, v2;
	_ =	sdelay $0x1  }
0x14e: {  	s24 =	simm.s32 $0x13200;
	v7 =	vadd.s32 v1, v7  }
0x14f: {  	[tilespmem:s24], [sflag:$0x2] =	stream.indirect_vreg.gather [hbm4b:s1+s3], $0x80, v6, vm0, $0xb8;
	[tilespmem:$0x1E200] =	vst v63  }
0x150: {  	v62 =	vperm.xlane v5, v3;
	s24 =	simm.s32 $0x13A00  }
0x151: {  	[tilespmem:s24], [sflag:$0x2] =	stream.indirect_vreg.gather [hbm4b:s5+s3], $0x80, v6, vm0, $0xb8;
	[tilespmem:$0x1E200] =	vst v63  }
0x152: {  	v6 =	vadd.s32 v1, v62;
	s24 =	simm.s32 $0x14200  }
0x153: {  	[tilespmem:s24], [sflag:$0x2] =	stream.indirect_vreg.gather [hbm4b:s1+s3], $0x80, v7, vm0, $0xb8;
	[tilespmem:$0x1E200] =	vst v63  }
0x154: {  	v5 =	vperm.xlane v5, v4;
	s24 =	simm.s32 $0x14A00  }
0x155: {  	[tilespmem:s24], [sflag:$0x2] =	stream.indirect_vreg.gather [hbm4b:s5+s3], $0x80, v7, vm0, $0xb8;
	[tilespmem:$0x1E200] =	vst v63  }
0x156: {  	v5 =	vadd.s32 v1, v5;
	s24 =	simm.s32 $0x15200  }
0x157: {  	[tilespmem:s24], [sflag:$0x2] =	stream.indirect_vreg.gather [hbm4b:s1+s3], $0x80, v6, vm0, $0xb8;
	[tilespmem:$0x1E200] =	vst v63  }
0x158: {  	s24 =	simm.s32 $0x15A00  }
0x159: {  	[tilespmem:s24], [sflag:$0x2] =	stream.indirect_vreg.gather [hbm4b:s5+s3], $0x80, v6, vm0, $0xb8;
	[tilespmem:$0x1E200] =	vst v63  }
0x15a: {  	s24 =	simm.s32 $0x16200  }
0x15b: {  	[tilespmem:s24], [sflag:$0x2] =	stream.indirect_vreg.gather [hbm4b:s1+s3], $0x80, v5, vm0, $0xb8;
	[tilespmem:$0x1E200] =	vst v63  }
0x15c: {  	s24 =	simm.s32 $0x16A00  }
0x15d: {  	[tilespmem:s24], [sflag:$0x2] =	stream.indirect_vreg.gather [hbm4b:s5+s3], $0x80, v5, vm0, $0xb8;
	[tilespmem:$0x1E200] =	vst v63  }
0x15e: {  	v5 =	vld [tilespmem:$0x1A0];
	_ =	sdelay $0x4  }
0x15f: {  	v6 =	vshll.u32 v5, $0x3  }
0x160: {  	v5 =	vand.u32 $0x7, v5;
	v6 =	vand.u32 $0xFFFFFFC0, v6  }
0x161: {  	v5 =	vor.u32 v5, v6  }
0x162: {  	v6 =	vperm.xlane v5, v0;
	_ =	sdelay $0x1  }
0x163: {  	v6 =	vadd.s32 v1, v6;
	_ =	sdelay $0x1  }
0x164: {  	v7 =	vperm.xlane v5, v2;
	_ =	sdelay $0x1  }
0x165: {  	s24 =	simm.s32 $0x17200;
	v7 =	vadd.s32 v1, v7  }
0x166: {  	[tilespmem:s24], [sflag:$0x2] =	stream.indirect_vreg.gather [hbm4b:s1+s3], $0x80, v6, vm0, $0xb8;
	[tilespmem:$0x1E200] =	vst v63  }
0x167: {  	v63 =	vperm.xlane v5, v3;
	s24 =	simm.s32 $0x17A00  }
0x168: {  	[tilespmem:s24], [sflag:$0x2] =	stream.indirect_vreg.gather [hbm4b:s5+s3], $0x80, v6, vm0, $0xb8;
	[tilespmem:$0x1E200] =	vst v63  }
0x169: {  	v6 =	vadd.s32 v1, v63;
	s24 =	simm.s32 $0x18200  }
0x16a: {  	[tilespmem:s24], [sflag:$0x2] =	stream.indirect_vreg.gather [hbm4b:s1+s3], $0x80, v7, vm0, $0xb8;
	[tilespmem:$0x1E200] =	vst v63  }
0x16b: {  	v5 =	vperm.xlane v5, v4;
	s24 =	simm.s32 $0x18A00  }
0x16c: {  	[tilespmem:s24], [sflag:$0x2] =	stream.indirect_vreg.gather [hbm4b:s5+s3], $0x80, v7, vm0, $0xb8;
	[tilespmem:$0x1E200] =	vst v63  }
0x16d: {  	v5 =	vadd.s32 v1, v5;
	s24 =	simm.s32 $0x19200  }
0x16e: {  	[tilespmem:s24], [sflag:$0x2] =	stream.indirect_vreg.gather [hbm4b:s1+s3], $0x80, v6, vm0, $0xb8;
	[tilespmem:$0x1E200] =	vst v63  }
0x16f: {  	s24 =	simm.s32 $0x19A00  }
0x170: {  	[tilespmem:s24], [sflag:$0x2] =	stream.indirect_vreg.gather [hbm4b:s5+s3], $0x80, v6, vm0, $0xb8;
	[tilespmem:$0x1E200] =	vst v63  }
0x171: {  	s24 =	simm.s32 $0x1A200  }
0x172: {  	[tilespmem:s24], [sflag:$0x2] =	stream.indirect_vreg.gather [hbm4b:s1+s3], $0x80, v5, vm0, $0xb8;
	[tilespmem:$0x1E200] =	vst v63  }
0x173: {  	s24 =	simm.s32 $0x1AA00  }
0x174: {  	[tilespmem:s24], [sflag:$0x2] =	stream.indirect_vreg.gather [hbm4b:s5+s3], $0x80, v5, vm0, $0xb8;
	[tilespmem:$0x1E200] =	vst v63  }
0x175: {  	v5 =	vld.msk [tilespmem:$0x1B0], $0xfff;
	_ =	sdelay $0x4  }
0x176: {  	v6 =	vshll.u32 v5, $0x3  }
0x177: {  	v5 =	vand.u32 $0x7, v5;
	v6 =	vand.u32 $0xFFFFFFC0, v6  }
0x178: {  	v5 =	vor.u32 v5, v6  }
0x179: {  	v6 =	vperm.xlane v5, v0;
	_ =	sdelay $0x1  }
0x17a: {  	v6 =	vadd.s32 v1, v6;
	_ =	sdelay $0x1  }
0x17b: {  	v7 =	vperm.xlane v5, v2;
	_ =	sdelay $0x1  }
0x17c: {  	s24 =	simm.s32 $0x1B200;
	v7 =	vadd.s32 v1, v7  }
0x17d: {  	[tilespmem:s24], [sflag:$0x2] =	stream.indirect_vreg.gather [hbm4b:s1+s3], $0x80, v6, vm0, $0xb8;
	[tilespmem:$0x1E200] =	vst v63  }
0x17e: {  	v5 =	vperm.xlane v5, v3;
	s24 =	simm.s32 $0x1BA00  }
0x17f: {  	[tilespmem:s24], [sflag:$0x2] =	stream.indirect_vreg.gather [hbm4b:s5+s3], $0x80, v6, vm0, $0xb8;
	[tilespmem:$0x1E200] =	vst v63  }
0x180: {  	v5 =	vadd.s32 v1, v5;
	s24 =	simm.s32 $0x1C200  }
0x181: {  	[tilespmem:s24], [sflag:$0x2] =	stream.indirect_vreg.gather [hbm4b:s1+s3], $0x80, v7, vm0, $0xb8;
	[tilespmem:$0x1E200] =	vst v63  }
0x182: {  	s24 =	simm.s32 $0x1CA00  }
0x183: {  	[tilespmem:s24], [sflag:$0x2] =	stream.indirect_vreg.gather [hbm4b:s5+s3], $0x80, v7, vm0, $0xb8;
	[tilespmem:$0x1E200] =	vst v63  }
0x184: {  	s24 =	simm.s32 $0x1D200  }
0x185: {  	[tilespmem:s24], [sflag:$0x2] =	stream.indirect_vreg.gather [hbm4b:s1+s3], $0x80, v5, vm0, $0xb8;
	[tilespmem:$0x1E200] =	vst v63  }
0x186: {  	s24 =	simm.s32 $0x1DA00  }
0x187: {  	[tilespmem:s24], [sflag:$0x2] =	stream.indirect_vreg.gather [hbm4b:s5+s3], $0x80, v5, vm0, $0xb8;
	[tilespmem:$0x1E200] =	vst v63  }
0x188: {  	_ =	swait.ge [sflag:s23], $0xF000  }
0x189: {  	[sflag:s23] =	ssyncset.done $0x0  }
0x18a: {  	s4 =	simm.s32 $0x200;
	s24 =	rddreg [dreg:$0x6];
	[sflag:s23] =	ssyncadd.s32 $0xFFFF1000  }
0x18b: {  	[hbm4b:s24+s3] =	stream.linear.scatter [tilespmem:s4], [sflag:$0x3], $0xF000, $0x38;
	[tilespmem:$0x1E200] =	vst v63  }
0x18c: {  	_ =	swait.ge [sflag:s7], $0xF000  }
0x18d: {  	[sflag:s7] =	ssyncset.done $0x0  }
0x18e: {  	s4 =	rddreg [dreg:$0x7];
	[sflag:s7] =	ssyncadd.s32 $0xFFFF1000  }
0x18f: {  	[hbm4b:s4+s3] =	stream.linear.scatter [tilespmem:s0], [sflag:$0x4], $0xF000, $0x38;
	[tilespmem:$0x1E200] =	vst v63  }
0x190: {  	p0 =	sne.s32 s6, $0x1;
	_ =	swait.ge [sflag:s2], $0xF000  }
.Ltmp0:
0x191: {  	[sflag:s2] =	ssyncset.done $0x0;
	(pc) =	sbr.rel @p0 .LBB2_1-.Ltmp0, $4  }
0x192: {  	[sflag:s2] =	ssyncadd.s32 $0xFFFF1000  }
0x193: {  	_ =	swait.ge [sflag:s8], $0xF000  }
0x194: {  	[sflag:s8] =	ssyncset.done $0x0  }
0x195: {  	s6 =	sadd.s32 $0xFFFFFFFF, s6;
	[sflag:s8] =	ssyncadd.s32 $0xFFFF1000  }
0x196: {  	_ =	sfence.sel $0x180000  }
0x197: {  	[bflag:$0x0] =	sbarrier.arrive $0xFFFF  }
0x198: {  	_ =	strace $0x90000047  }
0x199: {  	s0 =	stileid.u32;
	[bflag:$0x2] =	sbarrier.arrive $0xFFFF  }
0x19a: {  	p0 =	sne.s32 s0, $0x0;
	s0 =	rddreg [dreg:$0x3]  }
0x19b: {  	s0 =	sadd.s32 @!p0 $0x100000, s0  }
0x19c: {  	[sflag:s0] =	ssyncadd.tile.s32 @!p0 $0x1;
	_ =	shalt  }
.Lfunc_end2:
_tile_overlayer_lowered:
.L_overlay_start_2:
0x19d: {  	(tag) =	ssettag $0x2  }
0x19e: {  	s0 =	rddreg [dreg:$0x0];
	s2 =	stileid.u32  }
0x19f: {  	s1 =	rddreg [dreg:$0x1];
	p0 =	sne.s32 s2, $0x0  }
0x1a0: {  	s3 =	rddreg [dreg:$0x2];
	[bflag:$0x3] =	sbarrier.arrive $0xFFFF;
	s2 =	simm.s32 @!p0 $0x1C05  }
0x1a1: {  	[timem:s3], [sflag:s2] =	dma.local @!p0 [hbm:s0], s1  }
0x1a2: {  	s0 =	simm.s32 @!p0 $0x5  }
0x1a3: {  	_ =	swait.ge @!p0 [sflag:s0], s1  }
0x1a4: {  	s1 =	ssub.s32 @!p0 $0x0, s1;
	[sflag:s0] =	ssyncset.done @!p0 $0x0  }
0x1a5: {  	[sflag:s0] =	ssyncadd.s32 @!p0 s1  }
0x1a6: {  	[bflag:$0x3] =	sbarrier.arrive $0xFFFF  }
0x1a7: {  	_ =	shalt  }

</sc_bundles>
